<compile_context>
chip_gen: v7x
topology: tpu7x:2x2x1
jax: 0.10.2.dev20260603
libtpu: 0.0.44.dev20260713+nightly
codegen_flags: <defaults>
</compile_context>

<pallas_src>
import jax
import jax.numpy as jnp
from jax import lax
from jax.experimental import pallas as pl
from jax.experimental.pallas import tpu as pltpu
from jax.experimental.pallas import tpu_sc as plsc

_B, _H, _W, _C = 4, 112, 112, 96
_N = _B * _H * _W * _C
_OUT = _N * 4

_NSC = 2
_NT = 16
_L = 16

_NCHUNK = 10
_CH = 1927168
_CPS = _NCHUNK // _NSC
_DUMMY = 4096
_ACC = _CH + _DUMMY

_SHARE = _N // _NT
_WIN = 1568
_NWIN = _SHARE // _WIN
_VSTEP = _WIN // _L
_UNROLL = 7
_NB = 3

_TSLICE = _CH // _NT
_TCLIP = _TSLICE - (_NCHUNK * _CH - _OUT)


def _body(idx_hbm, upd_hbm, zero_hbm, out_hbm,
          i0, i1, i2, v0, v1, v2, acc, lisem, lvsem, scsem, zsem):
    cid = lax.axis_index("c")
    sid = lax.axis_index("s")
    in_base = sid * _SHARE
    ib = (i0, i1, i2)
    vb = (v0, v1, v2)

    def _issue_load(w, b):
        base = in_base + w * _WIN
        pltpu.async_copy(idx_hbm.at[pl.ds(base, _WIN)], ib[b], lisem.at[b])
        pltpu.async_copy(upd_hbm.at[pl.ds(base, _WIN)], vb[b], lvsem.at[b])

    def _wait_load_idx(w, b):
        base = in_base + w * _WIN
        pltpu.make_async_copy(idx_hbm.at[pl.ds(base, _WIN)], ib[b],
                              lisem.at[b]).wait()

    def _wait_load_val(w, b):
        base = in_base + w * _WIN
        pltpu.make_async_copy(upd_hbm.at[pl.ds(base, _WIN)], vb[b],
                              lvsem.at[b]).wait()

    def _filter(b, lo):
        @plsc.parallel_loop(0, _VSTEP, step=1, unroll=_UNROLL)
        def _vec(j):
            sl = pl.ds(j * _L, _L)
            x = ib[b][sl]
            u = plsc.bitcast(x - lo, jnp.uint32)
            d = plsc.bitcast((x & (_DUMMY - 1)) + _CH, jnp.uint32)
            ib[b][sl] = plsc.bitcast(jnp.minimum(u, d), jnp.int32)

    def _issue_scatter(b):
        pltpu.async_copy(vb[b], acc.at[ib[b]], scsem.at[b], add=True)

    def _wait_scatter(b):
        pltpu.make_async_copy(vb[b], acc.at[ib[b]], scsem.at[b]).wait()

    def _chunk(k, carry):
        lo = (cid * _CPS + k) * _CH
        zbase = pl.multiple_of(sid * _TSLICE, 8)

        pltpu.async_copy(zero_hbm.at[pl.ds(zbase, _TSLICE)],
                         acc.at[pl.ds(zbase, _TSLICE)], zsem)
        _issue_load(0, 0)
        pltpu.make_async_copy(zero_hbm.at[pl.ds(zbase, _TSLICE)],
                              acc.at[pl.ds(zbase, _TSLICE)], zsem).wait()
        plsc.subcore_barrier()

        def _group(g, c2):
            for b in range(_NB):
                w = g * _NB + b
                pf = (b + 1) % _NB
                if b < _NB - 1:
                    @pl.when(g > 0)
                    def _():
                        _wait_scatter(pf)
                    _issue_load(w + 1, pf)
                else:
                    _wait_scatter(pf)
                    @pl.when(g < _NWIN // _NB - 1)
                    def _():
                        _issue_load(w + 1, pf)
                _wait_load_idx(w, b)
                _filter(b, lo)
                _wait_load_val(w, b)
                _issue_scatter(b)
            return c2
        lax.fori_loop(0, _NWIN // _NB, _group, 0)

        _wait_scatter(1)
        _wait_scatter(2)
        plsc.subcore_barrier()

        off = pl.multiple_of(lo + sid * _TSLICE, 8)
        is_last = (cid * _CPS + k == _NCHUNK - 1) & (sid == _NT - 1)
        @pl.when(is_last)
        def _():
            pltpu.sync_copy(acc.at[pl.ds(zbase, _TCLIP)],
                            out_hbm.at[pl.ds(off, _TCLIP)])
        @pl.when(jnp.logical_not(is_last))
        def _():
            pltpu.sync_copy(acc.at[pl.ds(zbase, _TSLICE)],
                            out_hbm.at[pl.ds(off, _TSLICE)])
        return carry

    lax.fori_loop(0, _CPS, _chunk, 0)


def kernel(updates, mask):
    idx = mask.reshape(-1)
    upd = updates.reshape(-1)
    f = pl.kernel(
        _body,
        out_type=jax.ShapeDtypeStruct((_OUT,), jnp.float32),
        mesh=plsc.VectorSubcoreMesh(core_axis_name="c", subcore_axis_name="s"),
        scratch_types=[
            pltpu.VMEM((_WIN,), jnp.int32),
            pltpu.VMEM((_WIN,), jnp.int32),
            pltpu.VMEM((_WIN,), jnp.int32),
            pltpu.VMEM((_WIN,), jnp.float32),
            pltpu.VMEM((_WIN,), jnp.float32),
            pltpu.VMEM((_WIN,), jnp.float32),
            pltpu.VMEM_SHARED((_ACC,), jnp.float32),
            pltpu.SemaphoreType.DMA((_NB,)),
            pltpu.SemaphoreType.DMA((_NB,)),
            pltpu.SemaphoreType.DMA((_NB,)),
            pltpu.SemaphoreType.DMA,
        ],
    )
    zeros = jnp.zeros((_CH,), jnp.float32)
    out = f(idx, upd, zeros)
    return out.reshape(_B, _H * 2, _W * 2, _C)

# --- scband reference (transcript-rebuilt; emitter-appended) ---
"""Pipeline reference for scband-max-unpooling2-d-10402410791318 (READ-ONLY COPY).

The authoritative reference and input builder live on the scoring server;
editing this copy changes nothing except your own understanding.
"""

import jax, jax.numpy as jnp
import numpy as np

SIZE = (2, 2)
B, H, W, C = 4, 112, 112, 96
OUT_SIZE = B * H * SIZE[0] * W * SIZE[1] * C


def setup_inputs(seed: int = 0) -> dict:
    key = jax.random.key(seed)
    k1, k2 = jax.random.split(key)
    updates = jax.random.normal(k1, (B, H, W, C), dtype=jnp.float32)
    mask = jax.random.randint(k2, (B, H, W, C), 0, OUT_SIZE, dtype=jnp.int32)
    return {"updates": updates, "mask": mask}


def reference(updates, mask):
    # MaxUnpooling2D: scatter updates into a zero tensor of the unpooled size
    # using flattened indices stored in mask. tf.scatter_nd sums duplicate
    # indices, so we use .at[...].add for faithfulness.
    mask = mask.astype(jnp.int32)
    b, h, w, c = updates.shape
    out_h = h * SIZE[0]
    out_w = w * SIZE[1]
    total = b * out_h * out_w * c
    flat = jnp.zeros((total,), dtype=updates.dtype)
    flat = flat.at[mask.reshape(-1)].add(updates.reshape(-1))
    return flat.reshape(b, out_h, out_w, c)

if __name__ == "__main__":
    import jax
    _d = setup_inputs()
    print(jax.jit(kernel)(*tuple(_d.values())))

</pallas_src>

<mosaic_0001>
#map = affine_map<(d0, d1) -> (0)>
module attributes {stable_mosaic.version = 14 : i64} {
  func.func @_body(%arg0: i32, %arg1: i32, %arg2: memref<4816896xi32, #tpu.memory_space<hbm>>, %arg3: memref<4816896xf32, #tpu.memory_space<hbm>>, %arg4: memref<1927168xf32, #tpu.memory_space<hbm>>, %arg5: memref<19267584xf32, #tpu.memory_space<hbm>>, %arg6: memref<1568xi32, #tpu.memory_space<vmem>>, %arg7: memref<1568xi32, #tpu.memory_space<vmem>>, %arg8: memref<1568xi32, #tpu.memory_space<vmem>>, %arg9: memref<1568xf32, #tpu.memory_space<vmem>>, %arg10: memref<1568xf32, #tpu.memory_space<vmem>>, %arg11: memref<1568xf32, #tpu.memory_space<vmem>>, %arg12: memref<1931264xf32, #tpu.memory_space<vmem_shared>>, %arg13: memref<3x!tpu.dma_semaphore, #tpu.memory_space<semaphore_mem>>, %arg14: memref<3x!tpu.dma_semaphore, #tpu.memory_space<semaphore_mem>>, %arg15: memref<3x!tpu.dma_semaphore, #tpu.memory_space<semaphore_mem>>, %arg16: memref<!tpu.dma_semaphore, #tpu.memory_space<semaphore_mem>>) attributes {dimension_semantics = [#tpu.dimension_semantics<core_parallel>, #tpu.dimension_semantics<subcore_parallel>], iteration_bounds = array<i64: 2, 16>, scalar_prefetch = 0 : i64, scratch_operands = 11 : i64, tpu.core_type = #tpu.core_type<sc_vector_subcore>, window_params = [{transform_indices = #map}, {transform_indices = #map}, {transform_indices = #map}, {transform_indices = #map}]} {
    %mul3A = arith.constant 301056 : i32
    %mul3A_0 = arith.muli %arg1, %mul3A : i32
    %scan3A = arith.constant 0 : i32
    %scan3A_1 = arith.constant 0 : i32
    %scan3A_2 = arith.constant 5 : i32
    %scan3A_3 = arith.addi %scan3A_1, %scan3A_2 : i32
    %scan3A_4 = arith.constant 1 : i32
    scf.for %scan3A_6 = %scan3A_1 to %scan3A_3 step %scan3A_4  : i32 {
      %mul3A_7 = arith.constant 5 : i32
      %mul3A_8 = arith.muli %arg0, %mul3A_7 : i32
      %add3A = arith.addi %mul3A_8, %scan3A_6 : i32
      %mul3A_9 = arith.constant 1927168 : i32
      %mul3A_10 = arith.muli %add3A, %mul3A_9 : i32
      %mul3A_11 = arith.constant 120448 : i32
      %mul3A_12 = arith.muli %arg1, %mul3A_11 : i32
      %multiple_of3A = tpu.assume_multiple %mul3A_12, 8 : i32
      %dma_start3A = tpu.memref_slice %arg12[%multiple_of3A] : memref<1931264xf32, #tpu.memory_space<vmem_shared>> -> memref<120448xf32, #tpu.memory_space<vmem_shared>>
      %dma_start3A_13 = tpu.memref_slice %arg4[%multiple_of3A] : memref<1927168xf32, #tpu.memory_space<hbm>> -> memref<120448xf32, #tpu.memory_space<hbm>>
      tpu.enqueue_dma source(%dma_start3A_13 : memref<120448xf32, #tpu.memory_space<hbm>>) target(%dma_start3A : memref<120448xf32, #tpu.memory_space<vmem_shared>>) target_semaphore(%arg16 : memref<!tpu.dma_semaphore, #tpu.memory_space<semaphore_mem>>)
      %add3A_14 = arith.constant 0 : i32
      %add3A_15 = arith.addi %mul3A_0, %add3A_14 : i32
      %dma_start3A_16 = arith.constant 0 : i32
      %dma_start3A_17 = tpu.memref_slice %arg2[%add3A_15] : memref<4816896xi32, #tpu.memory_space<hbm>> -> memref<1568xi32, #tpu.memory_space<hbm>>
      %dma_start3A_18 = tpu.memref_slice %arg13[%dma_start3A_16] : memref<3x!tpu.dma_semaphore, #tpu.memory_space<semaphore_mem>> -> memref<1x!tpu.dma_semaphore, #tpu.memory_space<semaphore_mem>>
      %dma_start3A_19 = tpu.memref_squeeze %dma_start3A_18 : memref<1x!tpu.dma_semaphore, #tpu.memory_space<semaphore_mem>> -> memref<!tpu.dma_semaphore, #tpu.memory_space<semaphore_mem>>
      %dma_start3A_20 = tpu.memref_slice %arg2[%add3A_15] : memref<4816896xi32, #tpu.memory_space<hbm>> -> memref<1568xi32, #tpu.memory_space<hbm>>
      tpu.enqueue_dma source(%dma_start3A_20 : memref<1568xi32, #tpu.memory_space<hbm>>) target(%arg6 : memref<1568xi32, #tpu.memory_space<vmem>>) target_semaphore(%dma_start3A_19 : memref<!tpu.dma_semaphore, #tpu.memory_space<semaphore_mem>>)
      %dma_start3A_21 = arith.constant 0 : i32
      %dma_start3A_22 = tpu.memref_slice %arg3[%add3A_15] : memref<4816896xf32, #tpu.memory_space<hbm>> -> memref<1568xf32, #tpu.memory_space<hbm>>
      %dma_start3A_23 = tpu.memref_slice %arg14[%dma_start3A_21] : memref<3x!tpu.dma_semaphore, #tpu.memory_space<semaphore_mem>> -> memref<1x!tpu.dma_semaphore, #tpu.memory_space<semaphore_mem>>
      %dma_start3A_24 = tpu.memref_squeeze %dma_start3A_23 : memref<1x!tpu.dma_semaphore, #tpu.memory_space<semaphore_mem>> -> memref<!tpu.dma_semaphore, #tpu.memory_space<semaphore_mem>>
      %dma_start3A_25 = tpu.memref_slice %arg3[%add3A_15] : memref<4816896xf32, #tpu.memory_space<hbm>> -> memref<1568xf32, #tpu.memory_space<hbm>>
      tpu.enqueue_dma source(%dma_start3A_25 : memref<1568xf32, #tpu.memory_space<hbm>>) target(%arg9 : memref<1568xf32, #tpu.memory_space<vmem>>) target_semaphore(%dma_start3A_24 : memref<!tpu.dma_semaphore, #tpu.memory_space<semaphore_mem>>)
      %dma_wait3A = tpu.memref_slice %arg12[%multiple_of3A] : memref<1931264xf32, #tpu.memory_space<vmem_shared>> -> memref<120448xf32, #tpu.memory_space<vmem_shared>>
      %dma_wait3A_26 = tpu.memref_slice %arg4[%multiple_of3A] : memref<1927168xf32, #tpu.memory_space<hbm>> -> memref<120448xf32, #tpu.memory_space<hbm>>
      tpu.wait_dma2 semaphore(%arg16 : memref<!tpu.dma_semaphore, #tpu.memory_space<semaphore_mem>>) src(%dma_wait3A_26 : memref<120448xf32, #tpu.memory_space<hbm>>) dst(%dma_wait3A : memref<120448xf32, #tpu.memory_space<vmem_shared>>)
      %barrier3A = arith.constant 0 : index
      tpu.barrier barrier_id(%barrier3A)
      %scan3A_27 = arith.constant 0 : i32
      %scan3A_28 = arith.constant 0 : i32
      %scan3A_29 = arith.constant 64 : i32
      %scan3A_30 = arith.addi %scan3A_28, %scan3A_29 : i32
      %scan3A_31 = arith.constant 1 : i32
      scf.for %scan3A_59 = %scan3A_28 to %scan3A_30 step %scan3A_31  : i32 {
        %mul3A_60 = arith.constant 3 : i32
        %mul3A_61 = arith.muli %scan3A_59, %mul3A_60 : i32
        %add3A_62 = arith.constant 0 : i32
        %add3A_63 = arith.addi %mul3A_61, %add3A_62 : i32
        %gt3A = arith.constant 0 : i32
        %gt3A_64 = arith.cmpi sgt, %scan3A_59, %gt3A : i32
        %convert_element_type3A_65 = arith.extui %gt3A_64 : i1 to i32
        %cond3A_66 = arith.constant 0 : i32
        %cond3A_67 = arith.cmpi ne, %convert_element_type3A_65, %cond3A_66 : i32
        scf.if %cond3A_67 {
          %dma_wait3A_191 = arith.constant 1 : i32
          %dma_wait3A_192 = arith.constant 0 : i32
          %dma_wait3A_193 = tpu.memref_slice %arg12[%dma_wait3A_192] : memref<1931264xf32, #tpu.memory_space<vmem_shared>> -> memref<1931264xf32, #tpu.memory_space<vmem_shared>>
          %dma_wait3A_194 = tpu.memref_slice %arg15[%dma_wait3A_191] : memref<3x!tpu.dma_semaphore, #tpu.memory_space<semaphore_mem>> -> memref<1x!tpu.dma_semaphore, #tpu.memory_space<semaphore_mem>>
          %dma_wait3A_195 = tpu.memref_squeeze %dma_wait3A_194 : memref<1x!tpu.dma_semaphore, #tpu.memory_space<semaphore_mem>> -> memref<!tpu.dma_semaphore, #tpu.memory_space<semaphore_mem>>
          tpu.wait_indirect_dma semaphore(%dma_wait3A_195 : memref<!tpu.dma_semaphore, #tpu.memory_space<semaphore_mem>>) src(%arg10 : memref<1568xf32, #tpu.memory_space<vmem>>) dst(%dma_wait3A_193 : memref<1931264xf32, #tpu.memory_space<vmem_shared>>)
        } else {
        }
        %add3A_68 = arith.constant 1 : i32
        %add3A_69 = arith.addi %add3A_63, %add3A_68 : i32
        %mul3A_70 = arith.constant 1568 : i32
        %mul3A_71 = arith.muli %add3A_69, %mul3A_70 : i32
        %add3A_72 = arith.addi %mul3A_0, %mul3A_71 : i32
        %dma_start3A_73 = arith.constant 1 : i32
        %dma_start3A_74 = tpu.memref_slice %arg2[%add3A_72] : memref<4816896xi32, #tpu.memory_space<hbm>> -> memref<1568xi32, #tpu.memory_space<hbm>>
        %dma_start3A_75 = tpu.memref_slice %arg13[%dma_start3A_73] : memref<3x!tpu.dma_semaphore, #tpu.memory_space<semaphore_mem>> -> memref<1x!tpu.dma_semaphore, #tpu.memory_space<semaphore_mem>>
        %dma_start3A_76 = tpu.memref_squeeze %dma_start3A_75 : memref<1x!tpu.dma_semaphore, #tpu.memory_space<semaphore_mem>> -> memref<!tpu.dma_semaphore, #tpu.memory_space<semaphore_mem>>
        %dma_start3A_77 = tpu.memref_slice %arg2[%add3A_72] : memref<4816896xi32, #tpu.memory_space<hbm>> -> memref<1568xi32, #tpu.memory_space<hbm>>
        tpu.enqueue_dma source(%dma_start3A_77 : memref<1568xi32, #tpu.memory_space<hbm>>) target(%arg7 : memref<1568xi32, #tpu.memory_space<vmem>>) target_semaphore(%dma_start3A_76 : memref<!tpu.dma_semaphore, #tpu.memory_space<semaphore_mem>>)
        %dma_start3A_78 = arith.constant 1 : i32
        %dma_start3A_79 = tpu.memref_slice %arg3[%add3A_72] : memref<4816896xf32, #tpu.memory_space<hbm>> -> memref<1568xf32, #tpu.memory_space<hbm>>
        %dma_start3A_80 = tpu.memref_slice %arg14[%dma_start3A_78] : memref<3x!tpu.dma_semaphore, #tpu.memory_space<semaphore_mem>> -> memref<1x!tpu.dma_semaphore, #tpu.memory_space<semaphore_mem>>
        %dma_start3A_81 = tpu.memref_squeeze %dma_start3A_80 : memref<1x!tpu.dma_semaphore, #tpu.memory_space<semaphore_mem>> -> memref<!tpu.dma_semaphore, #tpu.memory_space<semaphore_mem>>
        %dma_start3A_82 = tpu.memref_slice %arg3[%add3A_72] : memref<4816896xf32, #tpu.memory_space<hbm>> -> memref<1568xf32, #tpu.memory_space<hbm>>
        tpu.enqueue_dma source(%dma_start3A_82 : memref<1568xf32, #tpu.memory_space<hbm>>) target(%arg10 : memref<1568xf32, #tpu.memory_space<vmem>>) target_semaphore(%dma_start3A_81 : memref<!tpu.dma_semaphore, #tpu.memory_space<semaphore_mem>>)
        %mul3A_83 = arith.constant 1568 : i32
        %mul3A_84 = arith.muli %add3A_63, %mul3A_83 : i32
        %add3A_85 = arith.addi %mul3A_0, %mul3A_84 : i32
        %dma_wait3A_86 = arith.constant 0 : i32
        %dma_wait3A_87 = tpu.memref_slice %arg2[%add3A_85] : memref<4816896xi32, #tpu.memory_space<hbm>> -> memref<1568xi32, #tpu.memory_space<hbm>>
        %dma_wait3A_88 = tpu.memref_slice %arg13[%dma_wait3A_86] : memref<3x!tpu.dma_semaphore, #tpu.memory_space<semaphore_mem>> -> memref<1x!tpu.dma_semaphore, #tpu.memory_space<semaphore_mem>>
        %dma_wait3A_89 = tpu.memref_squeeze %dma_wait3A_88 : memref<1x!tpu.dma_semaphore, #tpu.memory_space<semaphore_mem>> -> memref<!tpu.dma_semaphore, #tpu.memory_space<semaphore_mem>>
        %dma_wait3A_90 = tpu.memref_slice %arg2[%add3A_85] : memref<4816896xi32, #tpu.memory_space<hbm>> -> memref<1568xi32, #tpu.memory_space<hbm>>
        tpu.wait_dma2 semaphore(%dma_wait3A_89 : memref<!tpu.dma_semaphore, #tpu.memory_space<semaphore_mem>>) src(%dma_wait3A_90 : memref<1568xi32, #tpu.memory_space<hbm>>) dst(%arg6 : memref<1568xi32, #tpu.memory_space<vmem>>)
        %parallel_loop3A = arith.constant 0 : i32
        %parallel_loop3A_91 = arith.constant 98 : i32
        %parallel_loop3A_92 = arith.constant 1 : i32
        scf.for %parallel_loop3A_191 = %parallel_loop3A to %parallel_loop3A_91 step %parallel_loop3A_92  : i32 {
          %parallel_loop3A_192 = arith.constant 16 : i32
          %parallel_loop3A_193 = arith.muli %parallel_loop3A_191, %parallel_loop3A_192 : i32
          %parallel_loop3A_194 = arith.index_cast %parallel_loop3A_193 : i32 to index
          %parallel_loop3A_195 = tpu.vector_load %arg6[%parallel_loop3A_194] {strides = array<i32>} : memref<1568xi32, #tpu.memory_space<vmem>>, vector<16xi32>,
          %parallel_loop3A_196 = vector.shape_cast %parallel_loop3A_195 : vector<16xi32> to vector<16xi32>
          %parallel_loop3A_197 = vector.broadcast %mul3A_10 : i32 to vector<16xi32>
          %parallel_loop3A_198 = arith.subi %parallel_loop3A_196, %parallel_loop3A_197 : vector<16xi32>
          %parallel_loop3A_199 = vector.bitcast %parallel_loop3A_198 : vector<16xi32> to vector<16xi32>
          %parallel_loop3A_200 = arith.constant 4095 : i32
          %parallel_loop3A_201 = vector.broadcast %parallel_loop3A_200 : i32 to vector<16xi32>
          %parallel_loop3A_202 = arith.andi %parallel_loop3A_196, %parallel_loop3A_201 : vector<16xi32>
          %parallel_loop3A_203 = arith.constant 1927168 : i32
          %parallel_loop3A_204 = vector.broadcast %parallel_loop3A_203 : i32 to vector<16xi32>
          %parallel_loop3A_205 = arith.addi %parallel_loop3A_202, %parallel_loop3A_204 : vector<16xi32>
          %parallel_loop3A_206 = vector.bitcast %parallel_loop3A_205 : vector<16xi32> to vector<16xi32>
          %parallel_loop3A_207 = arith.minui %parallel_loop3A_199, %parallel_loop3A_206 : vector<16xi32>
          %parallel_loop3A_208 = vector.bitcast %parallel_loop3A_207 : vector<16xi32> to vector<16xi32>
          %parallel_loop3A_209 = arith.index_cast %parallel_loop3A_193 : i32 to index
          %parallel_loop3A_210 = tpu.vector_load %arg6[%parallel_loop3A_209] {strides = array<i32>} : memref<1568xi32, #tpu.memory_space<vmem>>, vector<16xi32>,
          %parallel_loop3A_211 = vector.shape_cast %parallel_loop3A_210 : vector<16xi32> to vector<16xi32>
          %parallel_loop3A_212 = vector.shape_cast %parallel_loop3A_208 : vector<16xi32> to vector<16xi32>
          tpu.vector_store %arg6[%parallel_loop3A_209], %parallel_loop3A_212 {strides = array<i32>} : memref<1568xi32, #tpu.memory_space<vmem>>, vector<16xi32>,
        } {sc.loop_unroll_factor = 7 : i64, sc.parallel_access}
        %mul3A_93 = arith.constant 1568 : i32
        %mul3A_94 = arith.muli %add3A_63, %mul3A_93 : i32
        %add3A_95 = arith.addi %mul3A_0, %mul3A_94 : i32
        %dma_wait3A_96 = arith.constant 0 : i32
        %dma_wait3A_97 = tpu.memref_slice %arg3[%add3A_95] : memref<4816896xf32, #tpu.memory_space<hbm>> -> memref<1568xf32, #tpu.memory_space<hbm>>
        %dma_wait3A_98 = tpu.memref_slice %arg14[%dma_wait3A_96] : memref<3x!tpu.dma_semaphore, #tpu.memory_space<semaphore_mem>> -> memref<1x!tpu.dma_semaphore, #tpu.memory_space<semaphore_mem>>
        %dma_wait3A_99 = tpu.memref_squeeze %dma_wait3A_98 : memref<1x!tpu.dma_semaphore, #tpu.memory_space<semaphore_mem>> -> memref<!tpu.dma_semaphore, #tpu.memory_space<semaphore_mem>>
        %dma_wait3A_100 = tpu.memref_slice %arg3[%add3A_95] : memref<4816896xf32, #tpu.memory_space<hbm>> -> memref<1568xf32, #tpu.memory_space<hbm>>
        tpu.wait_dma2 semaphore(%dma_wait3A_99 : memref<!tpu.dma_semaphore, #tpu.memory_space<semaphore_mem>>) src(%dma_wait3A_100 : memref<1568xf32, #tpu.memory_space<hbm>>) dst(%arg9 : memref<1568xf32, #tpu.memory_space<vmem>>)
        %dma_start3A_101 = arith.constant 0 : i32
        %dma_start3A_102 = arith.constant 0 : i32
        %dma_start3A_103 = tpu.memref_slice %arg12[%dma_start3A_102] : memref<1931264xf32, #tpu.memory_space<vmem_shared>> -> memref<1931264xf32, #tpu.memory_space<vmem_shared>>
        %dma_start3A_104 = tpu.memref_slice %arg15[%dma_start3A_101] : memref<3x!tpu.dma_semaphore, #tpu.memory_space<semaphore_mem>> -> memref<1x!tpu.dma_semaphore, #tpu.memory_space<semaphore_mem>>
        %dma_start3A_105 = tpu.memref_squeeze %dma_start3A_104 : memref<1x!tpu.dma_semaphore, #tpu.memory_space<semaphore_mem>> -> memref<!tpu.dma_semaphore, #tpu.memory_space<semaphore_mem>>
        tpu.enqueue_indirect_dma source(%arg9 : memref<1568xf32, #tpu.memory_space<vmem>>) target(%dma_start3A_103 : memref<1931264xf32, #tpu.memory_space<vmem_shared>>) offsets(%arg6 : memref<1568xi32, #tpu.memory_space<vmem>>) semaphore(%dma_start3A_105 : memref<!tpu.dma_semaphore, #tpu.memory_space<semaphore_mem>>) {add = true}
        %mul3A_106 = arith.constant 3 : i32
        %mul3A_107 = arith.muli %scan3A_59, %mul3A_106 : i32
        %add3A_108 = arith.constant 1 : i32
        %add3A_109 = arith.addi %mul3A_107, %add3A_108 : i32
        %gt3A_110 = arith.constant 0 : i32
        %gt3A_111 = arith.cmpi sgt, %scan3A_59, %gt3A_110 : i32
        %convert_element_type3A_112 = arith.extui %gt3A_111 : i1 to i32
        %cond3A_113 = arith.constant 0 : i32
        %cond3A_114 = arith.cmpi ne, %convert_element_type3A_112, %cond3A_113 : i32
        scf.if %cond3A_114 {
          %dma_wait3A_191 = arith.constant 2 : i32
          %dma_wait3A_192 = arith.constant 0 : i32
          %dma_wait3A_193 = tpu.memref_slice %arg12[%dma_wait3A_192] : memref<1931264xf32, #tpu.memory_space<vmem_shared>> -> memref<1931264xf32, #tpu.memory_space<vmem_shared>>
          %dma_wait3A_194 = tpu.memref_slice %arg15[%dma_wait3A_191] : memref<3x!tpu.dma_semaphore, #tpu.memory_space<semaphore_mem>> -> memref<1x!tpu.dma_semaphore, #tpu.memory_space<semaphore_mem>>
          %dma_wait3A_195 = tpu.memref_squeeze %dma_wait3A_194 : memref<1x!tpu.dma_semaphore, #tpu.memory_space<semaphore_mem>> -> memref<!tpu.dma_semaphore, #tpu.memory_space<semaphore_mem>>
          tpu.wait_indirect_dma semaphore(%dma_wait3A_195 : memref<!tpu.dma_semaphore, #tpu.memory_space<semaphore_mem>>) src(%arg11 : memref<1568xf32, #tpu.memory_space<vmem>>) dst(%dma_wait3A_193 : memref<1931264xf32, #tpu.memory_space<vmem_shared>>)
        } else {
        }
        %add3A_115 = arith.constant 1 : i32
        %add3A_116 = arith.addi %add3A_109, %add3A_115 : i32
        %mul3A_117 = arith.constant 1568 : i32
        %mul3A_118 = arith.muli %add3A_116, %mul3A_117 : i32
        %add3A_119 = arith.addi %mul3A_0, %mul3A_118 : i32
        %dma_start3A_120 = arith.constant 2 : i32
        %dma_start3A_121 = tpu.memref_slice %arg2[%add3A_119] : memref<4816896xi32, #tpu.memory_space<hbm>> -> memref<1568xi32, #tpu.memory_space<hbm>>
        %dma_start3A_122 = tpu.memref_slice %arg13[%dma_start3A_120] : memref<3x!tpu.dma_semaphore, #tpu.memory_space<semaphore_mem>> -> memref<1x!tpu.dma_semaphore, #tpu.memory_space<semaphore_mem>>
        %dma_start3A_123 = tpu.memref_squeeze %dma_start3A_122 : memref<1x!tpu.dma_semaphore, #tpu.memory_space<semaphore_mem>> -> memref<!tpu.dma_semaphore, #tpu.memory_space<semaphore_mem>>
        %dma_start3A_124 = tpu.memref_slice %arg2[%add3A_119] : memref<4816896xi32, #tpu.memory_space<hbm>> -> memref<1568xi32, #tpu.memory_space<hbm>>
        tpu.enqueue_dma source(%dma_start3A_124 : memref<1568xi32, #tpu.memory_space<hbm>>) target(%arg8 : memref<1568xi32, #tpu.memory_space<vmem>>) target_semaphore(%dma_start3A_123 : memref<!tpu.dma_semaphore, #tpu.memory_space<semaphore_mem>>)
        %dma_start3A_125 = arith.constant 2 : i32
        %dma_start3A_126 = tpu.memref_slice %arg3[%add3A_119] : memref<4816896xf32, #tpu.memory_space<hbm>> -> memref<1568xf32, #tpu.memory_space<hbm>>
        %dma_start3A_127 = tpu.memref_slice %arg14[%dma_start3A_125] : memref<3x!tpu.dma_semaphore, #tpu.memory_space<semaphore_mem>> -> memref<1x!tpu.dma_semaphore, #tpu.memory_space<semaphore_mem>>
        %dma_start3A_128 = tpu.memref_squeeze %dma_start3A_127 : memref<1x!tpu.dma_semaphore, #tpu.memory_space<semaphore_mem>> -> memref<!tpu.dma_semaphore, #tpu.memory_space<semaphore_mem>>
        %dma_start3A_129 = tpu.memref_slice %arg3[%add3A_119] : memref<4816896xf32, #tpu.memory_space<hbm>> -> memref<1568xf32, #tpu.memory_space<hbm>>
        tpu.enqueue_dma source(%dma_start3A_129 : memref<1568xf32, #tpu.memory_space<hbm>>) target(%arg11 : memref<1568xf32, #tpu.memory_space<vmem>>) target_semaphore(%dma_start3A_128 : memref<!tpu.dma_semaphore, #tpu.memory_space<semaphore_mem>>)
        %mul3A_130 = arith.constant 1568 : i32
        %mul3A_131 = arith.muli %add3A_109, %mul3A_130 : i32
        %add3A_132 = arith.addi %mul3A_0, %mul3A_131 : i32
        %dma_wait3A_133 = arith.constant 1 : i32
        %dma_wait3A_134 = tpu.memref_slice %arg2[%add3A_132] : memref<4816896xi32, #tpu.memory_space<hbm>> -> memref<1568xi32, #tpu.memory_space<hbm>>
        %dma_wait3A_135 = tpu.memref_slice %arg13[%dma_wait3A_133] : memref<3x!tpu.dma_semaphore, #tpu.memory_space<semaphore_mem>> -> memref<1x!tpu.dma_semaphore, #tpu.memory_space<semaphore_mem>>
        %dma_wait3A_136 = tpu.memref_squeeze %dma_wait3A_135 : memref<1x!tpu.dma_semaphore, #tpu.memory_space<semaphore_mem>> -> memref<!tpu.dma_semaphore, #tpu.memory_space<semaphore_mem>>
        %dma_wait3A_137 = tpu.memref_slice %arg2[%add3A_132] : memref<4816896xi32, #tpu.memory_space<hbm>> -> memref<1568xi32, #tpu.memory_space<hbm>>
        tpu.wait_dma2 semaphore(%dma_wait3A_136 : memref<!tpu.dma_semaphore, #tpu.memory_space<semaphore_mem>>) src(%dma_wait3A_137 : memref<1568xi32, #tpu.memory_space<hbm>>) dst(%arg7 : memref<1568xi32, #tpu.memory_space<vmem>>)
        %parallel_loop3A_138 = arith.constant 0 : i32
        %parallel_loop3A_139 = arith.constant 98 : i32
        %parallel_loop3A_140 = arith.constant 1 : i32
        scf.for %parallel_loop3A_191 = %parallel_loop3A_138 to %parallel_loop3A_139 step %parallel_loop3A_140  : i32 {
          %parallel_loop3A_192 = arith.constant 16 : i32
          %parallel_loop3A_193 = arith.muli %parallel_loop3A_191, %parallel_loop3A_192 : i32
          %parallel_loop3A_194 = arith.index_cast %parallel_loop3A_193 : i32 to index
          %parallel_loop3A_195 = tpu.vector_load %arg7[%parallel_loop3A_194] {strides = array<i32>} : memref<1568xi32, #tpu.memory_space<vmem>>, vector<16xi32>,
          %parallel_loop3A_196 = vector.shape_cast %parallel_loop3A_195 : vector<16xi32> to vector<16xi32>
          %parallel_loop3A_197 = vector.broadcast %mul3A_10 : i32 to vector<16xi32>
          %parallel_loop3A_198 = arith.subi %parallel_loop3A_196, %parallel_loop3A_197 : vector<16xi32>
          %parallel_loop3A_199 = vector.bitcast %parallel_loop3A_198 : vector<16xi32> to vector<16xi32>
          %parallel_loop3A_200 = arith.constant 4095 : i32
          %parallel_loop3A_201 = vector.broadcast %parallel_loop3A_200 : i32 to vector<16xi32>
          %parallel_loop3A_202 = arith.andi %parallel_loop3A_196, %parallel_loop3A_201 : vector<16xi32>
          %parallel_loop3A_203 = arith.constant 1927168 : i32
          %parallel_loop3A_204 = vector.broadcast %parallel_loop3A_203 : i32 to vector<16xi32>
          %parallel_loop3A_205 = arith.addi %parallel_loop3A_202, %parallel_loop3A_204 : vector<16xi32>
          %parallel_loop3A_206 = vector.bitcast %parallel_loop3A_205 : vector<16xi32> to vector<16xi32>
          %parallel_loop3A_207 = arith.minui %parallel_loop3A_199, %parallel_loop3A_206 : vector<16xi32>
          %parallel_loop3A_208 = vector.bitcast %parallel_loop3A_207 : vector<16xi32> to vector<16xi32>
          %parallel_loop3A_209 = arith.index_cast %parallel_loop3A_193 : i32 to index
          %parallel_loop3A_210 = tpu.vector_load %arg7[%parallel_loop3A_209] {strides = array<i32>} : memref<1568xi32, #tpu.memory_space<vmem>>, vector<16xi32>,
          %parallel_loop3A_211 = vector.shape_cast %parallel_loop3A_210 : vector<16xi32> to vector<16xi32>
          %parallel_loop3A_212 = vector.shape_cast %parallel_loop3A_208 : vector<16xi32> to vector<16xi32>
          tpu.vector_store %arg7[%parallel_loop3A_209], %parallel_loop3A_212 {strides = array<i32>} : memref<1568xi32, #tpu.memory_space<vmem>>, vector<16xi32>,
        } {sc.loop_unroll_factor = 7 : i64, sc.parallel_access}
        %mul3A_141 = arith.constant 1568 : i32
        %mul3A_142 = arith.muli %add3A_109, %mul3A_141 : i32
        %add3A_143 = arith.addi %mul3A_0, %mul3A_142 : i32
        %dma_wait3A_144 = arith.constant 1 : i32
        %dma_wait3A_145 = tpu.memref_slice %arg3[%add3A_143] : memref<4816896xf32, #tpu.memory_space<hbm>> -> memref<1568xf32, #tpu.memory_space<hbm>>
        %dma_wait3A_146 = tpu.memref_slice %arg14[%dma_wait3A_144] : memref<3x!tpu.dma_semaphore, #tpu.memory_space<semaphore_mem>> -> memref<1x!tpu.dma_semaphore, #tpu.memory_space<semaphore_mem>>
        %dma_wait3A_147 = tpu.memref_squeeze %dma_wait3A_146 : memref<1x!tpu.dma_semaphore, #tpu.memory_space<semaphore_mem>> -> memref<!tpu.dma_semaphore, #tpu.memory_space<semaphore_mem>>
        %dma_wait3A_148 = tpu.memref_slice %arg3[%add3A_143] : memref<4816896xf32, #tpu.memory_space<hbm>> -> memref<1568xf32, #tpu.memory_space<hbm>>
        tpu.wait_dma2 semaphore(%dma_wait3A_147 : memref<!tpu.dma_semaphore, #tpu.memory_space<semaphore_mem>>) src(%dma_wait3A_148 : memref<1568xf32, #tpu.memory_space<hbm>>) dst(%arg10 : memref<1568xf32, #tpu.memory_space<vmem>>)
        %dma_start3A_149 = arith.constant 1 : i32
        %dma_start3A_150 = arith.constant 0 : i32
        %dma_start3A_151 = tpu.memref_slice %arg12[%dma_start3A_150] : memref<1931264xf32, #tpu.memory_space<vmem_shared>> -> memref<1931264xf32, #tpu.memory_space<vmem_shared>>
        %dma_start3A_152 = tpu.memref_slice %arg15[%dma_start3A_149] : memref<3x!tpu.dma_semaphore, #tpu.memory_space<semaphore_mem>> -> memref<1x!tpu.dma_semaphore, #tpu.memory_space<semaphore_mem>>
        %dma_start3A_153 = tpu.memref_squeeze %dma_start3A_152 : memref<1x!tpu.dma_semaphore, #tpu.memory_space<semaphore_mem>> -> memref<!tpu.dma_semaphore, #tpu.memory_space<semaphore_mem>>
        tpu.enqueue_indirect_dma source(%arg10 : memref<1568xf32, #tpu.memory_space<vmem>>) target(%dma_start3A_151 : memref<1931264xf32, #tpu.memory_space<vmem_shared>>) offsets(%arg7 : memref<1568xi32, #tpu.memory_space<vmem>>) semaphore(%dma_start3A_153 : memref<!tpu.dma_semaphore, #tpu.memory_space<semaphore_mem>>) {add = true}
        %mul3A_154 = arith.constant 3 : i32
        %mul3A_155 = arith.muli %scan3A_59, %mul3A_154 : i32
        %add3A_156 = arith.constant 2 : i32
        %add3A_157 = arith.addi %mul3A_155, %add3A_156 : i32
        %dma_wait3A_158 = arith.constant 0 : i32
        %dma_wait3A_159 = arith.constant 0 : i32
        %dma_wait3A_160 = tpu.memref_slice %arg12[%dma_wait3A_159] : memref<1931264xf32, #tpu.memory_space<vmem_shared>> -> memref<1931264xf32, #tpu.memory_space<vmem_shared>>
        %dma_wait3A_161 = tpu.memref_slice %arg15[%dma_wait3A_158] : memref<3x!tpu.dma_semaphore, #tpu.memory_space<semaphore_mem>> -> memref<1x!tpu.dma_semaphore, #tpu.memory_space<semaphore_mem>>
        %dma_wait3A_162 = tpu.memref_squeeze %dma_wait3A_161 : memref<1x!tpu.dma_semaphore, #tpu.memory_space<semaphore_mem>> -> memref<!tpu.dma_semaphore, #tpu.memory_space<semaphore_mem>>
        tpu.wait_indirect_dma semaphore(%dma_wait3A_162 : memref<!tpu.dma_semaphore, #tpu.memory_space<semaphore_mem>>) src(%arg9 : memref<1568xf32, #tpu.memory_space<vmem>>) dst(%dma_wait3A_160 : memref<1931264xf32, #tpu.memory_space<vmem_shared>>)
        %lt3A = arith.constant 63 : i32
        %lt3A_163 = arith.cmpi slt, %scan3A_59, %lt3A : i32
        %convert_element_type3A_164 = arith.extui %lt3A_163 : i1 to i32
        %cond3A_165 = arith.constant 0 : i32
        %cond3A_166 = arith.cmpi ne, %convert_element_type3A_164, %cond3A_165 : i32
        scf.if %cond3A_166 {
          %add3A_191 = arith.constant 1 : i32
          %add3A_192 = arith.addi %add3A_157, %add3A_191 : i32
          %mul3A_193 = arith.constant 1568 : i32
          %mul3A_194 = arith.muli %add3A_192, %mul3A_193 : i32
          %add3A_195 = arith.addi %mul3A_0, %mul3A_194 : i32
          %dma_start3A_196 = arith.constant 0 : i32
          %dma_start3A_197 = tpu.memref_slice %arg2[%add3A_195] : memref<4816896xi32, #tpu.memory_space<hbm>> -> memref<1568xi32, #tpu.memory_space<hbm>>
          %dma_start3A_198 = tpu.memref_slice %arg13[%dma_start3A_196] : memref<3x!tpu.dma_semaphore, #tpu.memory_space<semaphore_mem>> -> memref<1x!tpu.dma_semaphore, #tpu.memory_space<semaphore_mem>>
          %dma_start3A_199 = tpu.memref_squeeze %dma_start3A_198 : memref<1x!tpu.dma_semaphore, #tpu.memory_space<semaphore_mem>> -> memref<!tpu.dma_semaphore, #tpu.memory_space<semaphore_mem>>
          %dma_start3A_200 = tpu.memref_slice %arg2[%add3A_195] : memref<4816896xi32, #tpu.memory_space<hbm>> -> memref<1568xi32, #tpu.memory_space<hbm>>
          tpu.enqueue_dma source(%dma_start3A_200 : memref<1568xi32, #tpu.memory_space<hbm>>) target(%arg6 : memref<1568xi32, #tpu.memory_space<vmem>>) target_semaphore(%dma_start3A_199 : memref<!tpu.dma_semaphore, #tpu.memory_space<semaphore_mem>>)
          %dma_start3A_201 = arith.constant 0 : i32
          %dma_start3A_202 = tpu.memref_slice %arg3[%add3A_195] : memref<4816896xf32, #tpu.memory_space<hbm>> -> memref<1568xf32, #tpu.memory_space<hbm>>
          %dma_start3A_203 = tpu.memref_slice %arg14[%dma_start3A_201] : memref<3x!tpu.dma_semaphore, #tpu.memory_space<semaphore_mem>> -> memref<1x!tpu.dma_semaphore, #tpu.memory_space<semaphore_mem>>
          %dma_start3A_204 = tpu.memref_squeeze %dma_start3A_203 : memref<1x!tpu.dma_semaphore, #tpu.memory_space<semaphore_mem>> -> memref<!tpu.dma_semaphore, #tpu.memory_space<semaphore_mem>>
          %dma_start3A_205 = tpu.memref_slice %arg3[%add3A_195] : memref<4816896xf32, #tpu.memory_space<hbm>> -> memref<1568xf32, #tpu.memory_space<hbm>>
          tpu.enqueue_dma source(%dma_start3A_205 : memref<1568xf32, #tpu.memory_space<hbm>>) target(%arg9 : memref<1568xf32, #tpu.memory_space<vmem>>) target_semaphore(%dma_start3A_204 : memref<!tpu.dma_semaphore, #tpu.memory_space<semaphore_mem>>)
        } else {
        }
        %mul3A_167 = arith.constant 1568 : i32
        %mul3A_168 = arith.muli %add3A_157, %mul3A_167 : i32
        %add3A_169 = arith.addi %mul3A_0, %mul3A_168 : i32
        %dma_wait3A_170 = arith.constant 2 : i32
        %dma_wait3A_171 = tpu.memref_slice %arg2[%add3A_169] : memref<4816896xi32, #tpu.memory_space<hbm>> -> memref<1568xi32, #tpu.memory_space<hbm>>
        %dma_wait3A_172 = tpu.memref_slice %arg13[%dma_wait3A_170] : memref<3x!tpu.dma_semaphore, #tpu.memory_space<semaphore_mem>> -> memref<1x!tpu.dma_semaphore, #tpu.memory_space<semaphore_mem>>
        %dma_wait3A_173 = tpu.memref_squeeze %dma_wait3A_172 : memref<1x!tpu.dma_semaphore, #tpu.memory_space<semaphore_mem>> -> memref<!tpu.dma_semaphore, #tpu.memory_space<semaphore_mem>>
        %dma_wait3A_174 = tpu.memref_slice %arg2[%add3A_169] : memref<4816896xi32, #tpu.memory_space<hbm>> -> memref<1568xi32, #tpu.memory_space<hbm>>
        tpu.wait_dma2 semaphore(%dma_wait3A_173 : memref<!tpu.dma_semaphore, #tpu.memory_space<semaphore_mem>>) src(%dma_wait3A_174 : memref<1568xi32, #tpu.memory_space<hbm>>) dst(%arg8 : memref<1568xi32, #tpu.memory_space<vmem>>)
        %parallel_loop3A_175 = arith.constant 0 : i32
        %parallel_loop3A_176 = arith.constant 98 : i32
        %parallel_loop3A_177 = arith.constant 1 : i32
        scf.for %parallel_loop3A_191 = %parallel_loop3A_175 to %parallel_loop3A_176 step %parallel_loop3A_177  : i32 {
          %parallel_loop3A_192 = arith.constant 16 : i32
          %parallel_loop3A_193 = arith.muli %parallel_loop3A_191, %parallel_loop3A_192 : i32
          %parallel_loop3A_194 = arith.index_cast %parallel_loop3A_193 : i32 to index
          %parallel_loop3A_195 = tpu.vector_load %arg8[%parallel_loop3A_194] {strides = array<i32>} : memref<1568xi32, #tpu.memory_space<vmem>>, vector<16xi32>,
          %parallel_loop3A_196 = vector.shape_cast %parallel_loop3A_195 : vector<16xi32> to vector<16xi32>
          %parallel_loop3A_197 = vector.broadcast %mul3A_10 : i32 to vector<16xi32>
          %parallel_loop3A_198 = arith.subi %parallel_loop3A_196, %parallel_loop3A_197 : vector<16xi32>
          %parallel_loop3A_199 = vector.bitcast %parallel_loop3A_198 : vector<16xi32> to vector<16xi32>
          %parallel_loop3A_200 = arith.constant 4095 : i32
          %parallel_loop3A_201 = vector.broadcast %parallel_loop3A_200 : i32 to vector<16xi32>
          %parallel_loop3A_202 = arith.andi %parallel_loop3A_196, %parallel_loop3A_201 : vector<16xi32>
          %parallel_loop3A_203 = arith.constant 1927168 : i32
          %parallel_loop3A_204 = vector.broadcast %parallel_loop3A_203 : i32 to vector<16xi32>
          %parallel_loop3A_205 = arith.addi %parallel_loop3A_202, %parallel_loop3A_204 : vector<16xi32>
          %parallel_loop3A_206 = vector.bitcast %parallel_loop3A_205 : vector<16xi32> to vector<16xi32>
          %parallel_loop3A_207 = arith.minui %parallel_loop3A_199, %parallel_loop3A_206 : vector<16xi32>
          %parallel_loop3A_208 = vector.bitcast %parallel_loop3A_207 : vector<16xi32> to vector<16xi32>
          %parallel_loop3A_209 = arith.index_cast %parallel_loop3A_193 : i32 to index
          %parallel_loop3A_210 = tpu.vector_load %arg8[%parallel_loop3A_209] {strides = array<i32>} : memref<1568xi32, #tpu.memory_space<vmem>>, vector<16xi32>,
          %parallel_loop3A_211 = vector.shape_cast %parallel_loop3A_210 : vector<16xi32> to vector<16xi32>
          %parallel_loop3A_212 = vector.shape_cast %parallel_loop3A_208 : vector<16xi32> to vector<16xi32>
          tpu.vector_store %arg8[%parallel_loop3A_209], %parallel_loop3A_212 {strides = array<i32>} : memref<1568xi32, #tpu.memory_space<vmem>>, vector<16xi32>,
        } {sc.loop_unroll_factor = 7 : i64, sc.parallel_access}
        %mul3A_178 = arith.constant 1568 : i32
        %mul3A_179 = arith.muli %add3A_157, %mul3A_178 : i32
        %add3A_180 = arith.addi %mul3A_0, %mul3A_179 : i32
        %dma_wait3A_181 = arith.constant 2 : i32
        %dma_wait3A_182 = tpu.memref_slice %arg3[%add3A_180] : memref<4816896xf32, #tpu.memory_space<hbm>> -> memref<1568xf32, #tpu.memory_space<hbm>>
        %dma_wait3A_183 = tpu.memref_slice %arg14[%dma_wait3A_181] : memref<3x!tpu.dma_semaphore, #tpu.memory_space<semaphore_mem>> -> memref<1x!tpu.dma_semaphore, #tpu.memory_space<semaphore_mem>>
        %dma_wait3A_184 = tpu.memref_squeeze %dma_wait3A_183 : memref<1x!tpu.dma_semaphore, #tpu.memory_space<semaphore_mem>> -> memref<!tpu.dma_semaphore, #tpu.memory_space<semaphore_mem>>
        %dma_wait3A_185 = tpu.memref_slice %arg3[%add3A_180] : memref<4816896xf32, #tpu.memory_space<hbm>> -> memref<1568xf32, #tpu.memory_space<hbm>>
        tpu.wait_dma2 semaphore(%dma_wait3A_184 : memref<!tpu.dma_semaphore, #tpu.memory_space<semaphore_mem>>) src(%dma_wait3A_185 : memref<1568xf32, #tpu.memory_space<hbm>>) dst(%arg11 : memref<1568xf32, #tpu.memory_space<vmem>>)
        %dma_start3A_186 = arith.constant 2 : i32
        %dma_start3A_187 = arith.constant 0 : i32
        %dma_start3A_188 = tpu.memref_slice %arg12[%dma_start3A_187] : memref<1931264xf32, #tpu.memory_space<vmem_shared>> -> memref<1931264xf32, #tpu.memory_space<vmem_shared>>
        %dma_start3A_189 = tpu.memref_slice %arg15[%dma_start3A_186] : memref<3x!tpu.dma_semaphore, #tpu.memory_space<semaphore_mem>> -> memref<1x!tpu.dma_semaphore, #tpu.memory_space<semaphore_mem>>
        %dma_start3A_190 = tpu.memref_squeeze %dma_start3A_189 : memref<1x!tpu.dma_semaphore, #tpu.memory_space<semaphore_mem>> -> memref<!tpu.dma_semaphore, #tpu.memory_space<semaphore_mem>>
        tpu.enqueue_indirect_dma source(%arg11 : memref<1568xf32, #tpu.memory_space<vmem>>) target(%dma_start3A_188 : memref<1931264xf32, #tpu.memory_space<vmem_shared>>) offsets(%arg8 : memref<1568xi32, #tpu.memory_space<vmem>>) semaphore(%dma_start3A_190 : memref<!tpu.dma_semaphore, #tpu.memory_space<semaphore_mem>>) {add = true}
      }
      %scan3A_32 = arith.constant 64 : i32
      %dma_wait3A_33 = arith.constant 1 : i32
      %dma_wait3A_34 = arith.constant 0 : i32
      %dma_wait3A_35 = tpu.memref_slice %arg12[%dma_wait3A_34] : memref<1931264xf32, #tpu.memory_space<vmem_shared>> -> memref<1931264xf32, #tpu.memory_space<vmem_shared>>
      %dma_wait3A_36 = tpu.memref_slice %arg15[%dma_wait3A_33] : memref<3x!tpu.dma_semaphore, #tpu.memory_space<semaphore_mem>> -> memref<1x!tpu.dma_semaphore, #tpu.memory_space<semaphore_mem>>
      %dma_wait3A_37 = tpu.memref_squeeze %dma_wait3A_36 : memref<1x!tpu.dma_semaphore, #tpu.memory_space<semaphore_mem>> -> memref<!tpu.dma_semaphore, #tpu.memory_space<semaphore_mem>>
      tpu.wait_indirect_dma semaphore(%dma_wait3A_37 : memref<!tpu.dma_semaphore, #tpu.memory_space<semaphore_mem>>) src(%arg10 : memref<1568xf32, #tpu.memory_space<vmem>>) dst(%dma_wait3A_35 : memref<1931264xf32, #tpu.memory_space<vmem_shared>>)
      %dma_wait3A_38 = arith.constant 2 : i32
      %dma_wait3A_39 = arith.constant 0 : i32
      %dma_wait3A_40 = tpu.memref_slice %arg12[%dma_wait3A_39] : memref<1931264xf32, #tpu.memory_space<vmem_shared>> -> memref<1931264xf32, #tpu.memory_space<vmem_shared>>
      %dma_wait3A_41 = tpu.memref_slice %arg15[%dma_wait3A_38] : memref<3x!tpu.dma_semaphore, #tpu.memory_space<semaphore_mem>> -> memref<1x!tpu.dma_semaphore, #tpu.memory_space<semaphore_mem>>
      %dma_wait3A_42 = tpu.memref_squeeze %dma_wait3A_41 : memref<1x!tpu.dma_semaphore, #tpu.memory_space<semaphore_mem>> -> memref<!tpu.dma_semaphore, #tpu.memory_space<semaphore_mem>>
      tpu.wait_indirect_dma semaphore(%dma_wait3A_42 : memref<!tpu.dma_semaphore, #tpu.memory_space<semaphore_mem>>) src(%arg11 : memref<1568xf32, #tpu.memory_space<vmem>>) dst(%dma_wait3A_40 : memref<1931264xf32, #tpu.memory_space<vmem_shared>>)
      %barrier3A_43 = arith.constant 0 : index
      tpu.barrier barrier_id(%barrier3A_43)
      %mul3A_44 = arith.constant 120448 : i32
      %mul3A_45 = arith.muli %arg1, %mul3A_44 : i32
      %add3A_46 = arith.addi %mul3A_10, %mul3A_45 : i32
      %multiple_of3A_47 = tpu.assume_multiple %add3A_46, 8 : i32
      %mul3A_48 = arith.constant 5 : i32
      %mul3A_49 = arith.muli %arg0, %mul3A_48 : i32
      %add3A_50 = arith.addi %mul3A_49, %scan3A_6 : i32
      %eq3A = arith.constant 9 : i32
      %eq3A_51 = arith.cmpi eq, %add3A_50, %eq3A : i32
      %eq3A_52 = arith.constant 15 : i32
      %eq3A_53 = arith.cmpi eq, %arg1, %eq3A_52 : i32
      %and3A = arith.andi %eq3A_51, %eq3A_53 : i1
      %convert_element_type3A = arith.extui %and3A : i1 to i32
      %cond3A = arith.constant 0 : i32
      %cond3A_54 = arith.cmpi ne, %convert_element_type3A, %cond3A : i32
      scf.if %cond3A_54 {
        "tpu.region"() ({
          %run_scoped3A = tpu.sem_alloc : memref<!tpu.dma_semaphore, #tpu.memory_space<semaphore_mem>>
          %dma_start3A_59 = tpu.memref_slice %arg5[%multiple_of3A_47] : memref<19267584xf32, #tpu.memory_space<hbm>> -> memref<116352xf32, #tpu.memory_space<hbm>>
          %dma_start3A_60 = tpu.memref_slice %arg12[%multiple_of3A] : memref<1931264xf32, #tpu.memory_space<vmem_shared>> -> memref<116352xf32, #tpu.memory_space<vmem_shared>>
          tpu.enqueue_dma source(%dma_start3A_60 : memref<116352xf32, #tpu.memory_space<vmem_shared>>) target(%dma_start3A_59 : memref<116352xf32, #tpu.memory_space<hbm>>) target_semaphore(%run_scoped3A : memref<!tpu.dma_semaphore, #tpu.memory_space<semaphore_mem>>)
          %dma_wait3A_61 = tpu.memref_slice %arg5[%multiple_of3A_47] : memref<19267584xf32, #tpu.memory_space<hbm>> -> memref<116352xf32, #tpu.memory_space<hbm>>
          %dma_wait3A_62 = tpu.memref_slice %arg12[%multiple_of3A] : memref<1931264xf32, #tpu.memory_space<vmem_shared>> -> memref<116352xf32, #tpu.memory_space<vmem_shared>>
          tpu.wait_dma2 semaphore(%run_scoped3A : memref<!tpu.dma_semaphore, #tpu.memory_space<semaphore_mem>>) src(%dma_wait3A_62 : memref<116352xf32, #tpu.memory_space<vmem_shared>>) dst(%dma_wait3A_61 : memref<116352xf32, #tpu.memory_space<hbm>>)
          tpu.yield
        }) : () -> ()
      } else {
      }
      %not3A = arith.constant true
      %not3A_55 = arith.xori %and3A, %not3A : i1
      %convert_element_type3A_56 = arith.extui %not3A_55 : i1 to i32
      %cond3A_57 = arith.constant 0 : i32
      %cond3A_58 = arith.cmpi ne, %convert_element_type3A_56, %cond3A_57 : i32
      scf.if %cond3A_58 {
        "tpu.region"() ({
          %run_scoped3A = tpu.sem_alloc : memref<!tpu.dma_semaphore, #tpu.memory_space<semaphore_mem>>
          %dma_start3A_59 = tpu.memref_slice %arg5[%multiple_of3A_47] : memref<19267584xf32, #tpu.memory_space<hbm>> -> memref<120448xf32, #tpu.memory_space<hbm>>
          %dma_start3A_60 = tpu.memref_slice %arg12[%multiple_of3A] : memref<1931264xf32, #tpu.memory_space<vmem_shared>> -> memref<120448xf32, #tpu.memory_space<vmem_shared>>
          tpu.enqueue_dma source(%dma_start3A_60 : memref<120448xf32, #tpu.memory_space<vmem_shared>>) target(%dma_start3A_59 : memref<120448xf32, #tpu.memory_space<hbm>>) target_semaphore(%run_scoped3A : memref<!tpu.dma_semaphore, #tpu.memory_space<semaphore_mem>>)
          %dma_wait3A_61 = tpu.memref_slice %arg5[%multiple_of3A_47] : memref<19267584xf32, #tpu.memory_space<hbm>> -> memref<120448xf32, #tpu.memory_space<hbm>>
          %dma_wait3A_62 = tpu.memref_slice %arg12[%multiple_of3A] : memref<1931264xf32, #tpu.memory_space<vmem_shared>> -> memref<120448xf32, #tpu.memory_space<vmem_shared>>
          tpu.wait_dma2 semaphore(%run_scoped3A : memref<!tpu.dma_semaphore, #tpu.memory_space<semaphore_mem>>) src(%dma_wait3A_62 : memref<120448xf32, #tpu.memory_space<vmem_shared>>) dst(%dma_wait3A_61 : memref<120448xf32, #tpu.memory_space<hbm>>)
          tpu.yield
        }) : () -> ()
      } else {
      }
    }
    %scan3A_5 = arith.constant 5 : i32
    return
  }
}

</mosaic_0001>

<sc_bundles>
// kernel: kernel.3.cloned.1.call-start
scs
__scs_entry_jumppad:
0x0: {  	(pc) =	sbr.rel $0x88, $3  }
0x1: {  	(tag) =	ssettag $0x0;
	lr =	simm.s32 $0x1  }
0x2: {  	[smem:$0x3F9F] =	sst lr;
	_ =	strace $0xD0000000  }
0x3: {  	_ = 	snop  }
0x4: {  	_ = 	snop  }
0x5: {  	_ = 	snop  }
0x6: {  	_ = 	snop  }
0x7: {  	_ = 	snop  }
__scs_overlays_trampoline_lowered:
0x8: {  	[smem:$0x3FAE] =	sst s0  }
0x9: {  	[smem:$0x3FAF] =	sst s1  }
0xa: {  	[smem:$0x3FB0] =	sst s2  }
0xb: {  	[smem:$0x3FB1] =	sst s3  }
0xc: {  	[smem:$0x3FB2] =	sst s4  }
0xd: {  	[smem:$0x3FB3] =	sst s5  }
0xe: {  	[smem:$0x3FB4] =	sst s6  }
0xf: {  	[smem:$0x3FB5] =	sst s7  }
0x10: {  	[smem:$0x3FB6] =	sst s8  }
0x11: {  	[smem:$0x3FB7] =	sst s9;
	s0 =	simm.s32 @!p0 $0x0  }
0x12: {  	s1 =	sld [smem:$0x3F9D];
	s0 =	simm.s32 @p0 $0x1  }
0x13: {  	[smem:$0x3FB8] =	sst s0;
	s0 =	simm.s32 @!p1 $0x0  }
0x14: {  	s2 =	sld [smem:$0x3F9C];
	s0 =	simm.s32 @p1 $0x1  }
0x15: {  	[smem:$0x3FB9] =	sst s0;
	s0 =	simm.s32 @!p2 $0x0  }
0x16: {  	s3 =	sld [smem:$0x3FDB];
	s0 =	simm.s32 @p2 $0x1  }
0x17: {  	s4 =	simm.s32 $0x1BF5;
	[smem:$0x3FBB] =	sst s0  }
0x18: {  	s0 =	sld [smem:$0x3F9E];
	_ =	swait.ge [sflag:s4], $0x0  }
0x19: {  	s7 =	sld [smem:$0x3F9F]  }
0x1a: {  	s8 =	sadd.s32 $0xFFFFE003, lr  }
0x1b: {  	s9 =	sadd.s32 $0xFFFFFEF7, lr;
	s5 =	simm.s32 $0xFFFFFFFF;
	p2 =	slt.u32 s8, $0xFFFFF086  }
0x1c: {  	p1 =	slt.u32 s9, $0xF7A;
	s5 =	simm.s32 @!p2 $0x0  }
0x1d: {  	s5 =	simm.s32 @p1 $0x1;
	p0 =	seq.s32 s7, s2  }
0x1e: {  	s7 =	smul.u32 @!p0 $0xF7A, s2;
	p2 =	seq.s32 @!p0 s5, $0x0  }
0x1f: {  	s9 =	smul.u32 $0xF7A, s1;
	s8 =	simm.s32 @!p0 $0x1BF5;
	p2 =	por !p2, p0  }
0x20: {  	[sflag:s8] =	ssyncset.s32 @!p0 $0xFFFFF086;
	s6 =	sadd.s32 @!p0 s3, s7;
	s7 =	simm.s32 @!p0 $0x108  }
0x21: {  	s3 =	sadd.s32 s3, s9;
	s6 =	sadd.s32 @!p0 $0x88, s6;
	s7 =	simm.s32 @p2 $0x1082  }
0x22: {  	[simem:s7], [sflag:s8] =	dma.local @!p0 [hbm:s6], $0xF7A  }
0x23: {  	s9 =	sor.u32 $0xD0000000, s2;
	s6 =	simm.s32 $0x108;
	_ =	swait.ge @!p0 [sflag:s8], $0x0  }
0x24: {  	s3 =	sadd.s32 $0x88, s3;
	s6 =	simm.s32 @!p1 $0x1082;
	[sflag:s4] =	ssyncset.s32 $0xFFFFF086  }
0x25: {  	[simem:s6], [sflag:s4] =	dma.local [hbm:s3], $0xF7A  }
0x26: {  	[smem:$0x3F9F] =	sst s1;
	(tag) =	ssettag s2;
	_ =	strace s9  }
0x27: {  	s1 =	sld [smem:$0x3FAF]  }
0x28: {  	s2 =	sld [smem:$0x3FB0]  }
0x29: {  	s4 =	sld [smem:$0x3FB2]  }
0x2a: {  	p0 =	seq.s32 s5, $0x0;
	s5 =	sld [smem:$0x3FB3]  }
0x2b: {  	s6 =	sld [smem:$0x3FB4]  }
0x2c: {  	s7 =	sld [smem:$0x3FB5]  }
0x2d: {  	s3 =	simm.s32 $0x108;
	s8 =	sld [smem:$0x3FB6]  }
0x2e: {  	s3 =	simm.s32 @!p0 $0x1082;
	s9 =	sld [smem:$0x3FB7]  }
0x2f: {  	lr =	sadd.s32 s0, s3;
	s0 =	sld [smem:$0x3FAE]  }
0x30: {  	s3 =	sld [smem:$0x3FB1]  }
0x31: {  	[smem:$0x3FBA] =	sst s10  }
0x32: {  	s10 =	sld [smem:$0x3FB8];
	_ =	sdelay $0x3  }
0x33: {  	p0 =	seq.s32 s10, $0x1;
	s10 =	sld [smem:$0x3FBA];
	_ =	sdelay $0x3  }
0x34: {  	[smem:$0x3FBA] =	sst s10  }
0x35: {  	s10 =	sld [smem:$0x3FB9];
	_ =	sdelay $0x3  }
0x36: {  	p1 =	seq.s32 s10, $0x1;
	s10 =	sld [smem:$0x3FBA];
	_ =	sdelay $0x3  }
0x37: {  	[smem:$0x3FBA] =	sst s10  }
0x38: {  	s10 =	sld [smem:$0x3FBB]  }
0x39: {  	_ = 	snop;
	(pc) =	sbr.ind lr, $3  }
0x3a: {  	_ = 	snop  }
0x3b: {  	_ = 	snop  }
0x3c: {  	p2 =	seq.s32 s10, $0x1;
	s10 =	sld [smem:$0x3FBA]  }
0x3d: {  	_ =	shalt  }
0x3e: {  	_ =	shalt  }
0x3f: {  	_ =	shalt  }
0x40: {  	_ =	shalt  }
0x41: {  	_ =	shalt  }
0x42: {  	_ =	shalt  }
0x43: {  	_ =	shalt  }
0x44: {  	_ =	shalt  }
0x45: {  	_ =	shalt  }
0x46: {  	_ =	shalt  }
0x47: {  	_ =	shalt  }
0x48: {  	_ =	shalt  }
0x49: {  	_ =	shalt  }
0x4a: {  	_ =	shalt  }
0x4b: {  	_ =	shalt  }
0x4c: {  	_ =	shalt  }
0x4d: {  	_ =	shalt  }
0x4e: {  	_ =	shalt  }
0x4f: {  	_ =	shalt  }
0x50: {  	_ =	shalt  }
0x51: {  	_ =	shalt  }
0x52: {  	_ =	shalt  }
0x53: {  	_ =	shalt  }
0x54: {  	_ =	shalt  }
0x55: {  	_ =	shalt  }
0x56: {  	_ =	shalt  }
0x57: {  	_ =	shalt  }
0x58: {  	_ =	shalt  }
0x59: {  	_ =	shalt  }
0x5a: {  	_ =	shalt  }
0x5b: {  	_ =	shalt  }
0x5c: {  	_ =	shalt  }
0x5d: {  	_ =	shalt  }
0x5e: {  	_ =	shalt  }
0x5f: {  	_ =	shalt  }
0x60: {  	_ =	shalt  }
0x61: {  	_ =	shalt  }
0x62: {  	_ =	shalt  }
0x63: {  	_ =	shalt  }
0x64: {  	_ =	shalt  }
0x65: {  	_ =	shalt  }
0x66: {  	_ =	shalt  }
0x67: {  	_ =	shalt  }
0x68: {  	_ =	shalt  }
0x69: {  	_ =	shalt  }
0x6a: {  	_ =	shalt  }
0x6b: {  	_ =	shalt  }
0x6c: {  	_ =	shalt  }
0x6d: {  	_ =	shalt  }
0x6e: {  	_ =	shalt  }
0x6f: {  	_ =	shalt  }
0x70: {  	_ =	shalt  }
0x71: {  	_ =	shalt  }
0x72: {  	_ =	shalt  }
0x73: {  	_ =	shalt  }
0x74: {  	_ =	shalt  }
0x75: {  	_ =	shalt  }
0x76: {  	_ =	shalt  }
0x77: {  	_ =	shalt  }
0x78: {  	_ =	shalt  }
0x79: {  	_ =	shalt  }
0x7a: {  	_ =	shalt  }
0x7b: {  	_ =	shalt  }
0x7c: {  	_ =	shalt  }
0x7d: {  	_ =	shalt  }
0x7e: {  	_ =	shalt  }
0x7f: {  	_ =	shalt  }
0x80: {  	_ =	shalt  }
0x81: {  	_ =	shalt  }
0x82: {  	_ =	shalt  }
0x83: {  	_ =	shalt  }
0x84: {  	_ =	shalt  }
0x85: {  	_ =	shalt  }
0x86: {  	_ =	shalt  }
0x87: {  	_ =	shalt  }
.Lfunc_end0:
.L_simem_size_0:
called_computation.1_lowered:
.L_overlay_start_0:
0x88: {  	s2 =	sld [smem:$0x3FD9]  }
0x89: {  	s3 =	sld [smem:$0x3FFE];
	_ =	sdelay $0x1  }
0x8a: {  	s1 =	srdreg.scid  }
0x8b: {  	s0 =	sand.u32 $0x1, s1  }
0x8c: {  	s17 =	sshll.u32 s0, $0xA;
	s2 =	sadd.s32 s3, s2  }
0x8d: {  	s2 =	sadd.s32 s2, s17  }
0x8e: {  	[smem:$0x3FC6] =	sst s2  }
0x8f: {  	_ = 	snop  }
0x90: {  	s2 =	sld [smem:$0x3FD0];
	(tm) =	ssettm $0x1  }
0x91: {  	s18 =	sld [smem:$0x3FFB];
	_ =	sdelay $0x3  }
0x92: {  	_ =	strace s18  }
0x93: {  	s3 =	sld [smem:$0x3FFC];
	_ =	sdelay $0x3  }
0x94: {  	_ =	strace s3  }
0x95: {  	s3 =	sld [smem:$0x3FFD];
	_ =	sdelay $0x3  }
0x96: {  	_ =	strace s3  }
0x97: {  	_ =	strace $0x8FFFFFFF  }
0x98: {  	s19 =	sld [smem:$0x3FDB];
	_ =	sdelay $0x1  }
0x99: {  	s4 =	simm.s32 $_scs_section_size  }
0x9a: {  	s5 =	simm.s32 $_size__tile_overlayer_lowered;
	s6 =	simm.s32 $_tile_overlayer_lowered  }
0x9b: {  	s22 =	simm.s32 $0x1BFF;
	s21 =	sshll.u32 s6, $0x1;
	s3 =	sadd.s32 s4, s19  }
0x9c: {  	s7 =	simm.s32 $0x0;
	s20 =	sshll.u32 s5, $0x1;
	s5 =	sadd.s32 s21, s3  }
0x9d: {  	[timem:s7], [sflag:s22] =	dma.local [hbm:s5], s20  }
0x9e: {  	_ =	swait.ge [sflag:s22], s20  }
0x9f: {  	s4 =	ssub.s32 $0x0, s20;
	[sflag:s22] =	ssyncset.done $0x0  }
0xa0: {  	[sflag:s22] =	ssyncadd.s32 s4;
	_ =	sdelay $0x1  }
0xa1: {  	s23 =	simm.s32 $0x1B8B  }
0xa2: {  	_ =	swait.ge [sflag:s23], $0x1  }
0xa3: {  	[sflag:s23] =	ssyncset.done $0x0  }
0xa4: {  	s25 =	simm.s32 $0x1B8E;
	s24 =	sld [smem:$0x3FFE];
	[sflag:s23] =	ssyncadd.s32 $0xFFFFFFFF  }
0xa5: {  	s26 =	simm.s32 $execute0_lowered;
	[smem:$0x3FD2] =	sst s25  }
0xa6: {  	s5 =	sshll.u32 s26, $0x1;
	_ =	strace $0x80000046;
	[dreg:$0x1] =	wrdreg $0xFFFFFFFF  }
0xa7: {  	s28 =	simm.s32 $_size_execute0_lowered;
	s3 =	sadd.s32 s3, s5;
	[dreg:$0x0] =	wrdreg $0x0  }
0xa8: {  	s5 =	sshll.u32 s28, $0x1;
	[dreg:$0x2] =	wrdreg s3  }
0xa9: {  	[dreg:$0x3] =	wrdreg s5  }
0xaa: {  	[dreg:$0x4] =	wrdreg $0xC0  }
0xab: {  	_ =	task [dreg:s7], $0x5FFFF  }
0xac: {  	[dreg:$0x1] =	wrdreg $0xFFFFFFFF  }
0xad: {  	[dreg:$0x0] =	wrdreg $0x60  }
0xae: {  	[dreg:$0x2] =	wrdreg s24  }
0xaf: {  	[dreg:$0x3] =	wrdreg s2  }
0xb0: {  	[dreg:$0x4] =	wrdreg $0x27000  }
0xb1: {  	[dreg:$0x5] =	wrdreg $0x9  }
0xb2: {  	_ =	task.clear_ibuf [dreg:s7], $0x6FFFF;
	_ =	strace $0x90000046  }
0xb3: {  	s29 =	simm.s32 $0x9;
	_ =	strace $0x80000048  }
0xb4: {  	_ =	swait.ge [sflag:s29], $0x1  }
0xb5: {  	[sflag:s29] =	ssyncadd.s32 $0xFFFFFFFF  }
0xb6: {  	_ =	strace $0x90000048  }
0xb7: {  	_ =	sfence  }
0xb8: {  	s30 =	sld [smem:$0x0];
	_ =	sdelay $0x2  }
0xb9: {  	s31 =	sshll.u32 s1, $0xD;
	s1 =	sshrl.u32 s1, $0x2  }
0xba: {  	s3 =	sand.u32 $0x4000, s31;
	s1 =	sadd.s32 s1, s30  }
0xbb: {  	s0 =	sor.u32 s3, s0;
	s1 =	sshll.u32 s1, $0x11  }
0xbc: {  	s0 =	sor.u32 s1, s0  }
0xbd: {  	s0 =	sadd.s32 $0x8F2B, s0  }
0xbe: {  	[sflag:s0] =	ssyncadd.remote.s32 $0x1  }
0xbf: {  	_ =	sfence.sel $0xFFFF  }
0xc0: {  	[dreg:$0x0] =	wrdreg $0xFFFFFFFF;
	(pc) =	sbr.abs _section_cstart, $3  }
0xc1: {  	[dreg:$0x1] =	wrdreg $0xFFFFFFFF  }
0xc2: {  	_ =	task.clear_ibuf [dreg:s7], $0x2FFFF;
	_ =	strace $0x9FFFFFFF  }
0xc3: {  	(tm) =	ssettm $0x7FFFFFFF  }
tec
execute0_lowered:
.L_overlay_start_1:
0x0: {  	(tag) =	ssettag $0x1  }
0x1: {  	s0 =	rddreg [dreg:$0x0]  }
0x2: {  	s9 =	rddreg [dreg:$0x1]  }
0x3: {  	s3 =	rddreg [dreg:$0x2]  }
0x4: {  	s4 =	simm.s32 $0x0;
	s10 =	stileid.u32;
	s1 =	srdreg.scid  }
0x5: {  	s28 =	simm.s32 $0xD00;
	s29 =	simm.s32 $0x2080;
	s30 =	simm.s32 $0x2  }
0x6: {  	s31 =	simm.s32 $0x5;
	s18 =	simm.s32 $0x6;
	[smem:$0x7FF] =	sst s4  }
0x7: {  	s11 =	smul.u32 $0x1D680, s10;
	s6 =	sadd.s32 $0x93800, s0;
	s1 =	sand.u32 $0x1, s1  }
0x8: {  	s7 =	sadd.s32 $0x800, s0;
	s8 =	smul.u32 $0x49800, s10;
	s25 =	sadd.s32 $0x248730, s9  }
0x9: {  	s22 =	sshll.u32 s10, $0x6;
	p0 =	sne.s32 s10, $0xF;
	_ =	strace $0x80000047  }
0xa: {  	s5 =	ssub.s32 $0x2, s1;
	s1 =	smul.u32 $0x5, s1;
	[dreg:$0x7] =	wrdreg s22  }
0xb: {  	[dreg:$0xb] =	wrdreg s25;
	s25 =	simm.s32 $0x4;
	s2 =	sshrl.u32 s11, $0x3  }
0xc: {  	s20 =	sshrl.u32 s5, $0x1;
	[dreg:$0x4] =	wrdreg s11;
	s21 =	sadd.s32 s11, s3  }
0xd: {  	s23 =	sshrl.u32 s8, $0x3;
	s14 =	sor.u32 $0x620, s8;
	s15 =	sadd.s32 $0xC40, s8  }
0xe: {  	s16 =	sadd.s32 $0x1260, s8;
	s8 =	simm.s32 $0x0;
	s0 =	sadd.s32 s2, s0  }
0xf: {  	s2 =	ssub.s32 s5, s20;
	[dreg:$0x5] =	wrdreg s1;
	s5 =	sor.u32 $0x1C0A, s22  }
0x10: {  	s24 =	sadd.s32 s6, s23;
	s19 =	sshrl.u32 s21, $0x3;
	s20 =	simm.s32 $0x1380  }
0x11: {  	s22 =	simm.s32 $0x680;
	s0 =	sadd.s32 $0x126800, s0;
	[dreg:$0x8] =	wrdreg s5  }
0x12: {  	[dreg:$0x9] =	wrdreg s24;
	s26 =	smax.u32 s2, $0x1;
	s24 =	simm.s32 $0x1  }
0x13: {  	s2 =	simm.s32 $0x3;
	s5 =	simm.s32 $0x9;
	[dreg:$0x6] =	wrdreg s0  }
0x14: {  	s0 =	sadd.s32 s7, s23;
	[dreg:$0xc] =	wrdreg s26;
	s23 =	simm.s32 $0x1A00  }
0x15: {  	s26 =	simm.s32 $0x620;
	[dreg:$0xa] =	wrdreg s0;
	s0 =	simm.s32 $0x7  }
.LBB2_1:
0x16: {  	[dreg:$0xd] =	wrdreg s8;
	s17 =	simm.s32 $0x0  }
.LBB2_2:
0x17: {  	s1 =	rddreg [dreg:$0x6]  }
0x18: {  	s8 =	rddreg [dreg:$0x8]  }
0x19: {  	[spmem:s19], [sflag:s8] =	dma.local [hbm:s1], $0x3AD0  }
0x1a: {  	s1 =	rddreg [dreg:$0x9]  }
0x1b: {  	s11 =	simm.s32 $0x0;
	s12 =	rddreg [dreg:$0xa]  }
0x1c: {  	[tilespmem:s11], [sflag:$0x1] =	stream.linear.gather [hbm4b:s1+s11], $0x620, $0x38;
	[tilespmem:$0x1FE80] =	vst v63  }
0x1d: {  	s21 =	simm.s32 $0xA;
	s13 =	rddreg [dreg:$0x5]  }
0x1e: {  	[tilespmem:s20], [sflag:$0x4] =	stream.linear.gather [hbm4b:s12+s11], $0x620, $0x38;
	[tilespmem:$0x1FE80] =	vst v63  }
0x1f: {  	s9 =	sadd.s32 s13, s17;
	_ =	swait.ge [sflag:s21], $0x3AD0  }
0x20: {  	s8 =	smul.u32 $0x1D6800, s9;
	[sflag:s21] =	ssyncset.done $0x0  }
0x21: {  	[sflag:s21] =	ssyncadd.s32 $0xFFFFC530  }
0x22: {  	v0 =	vmov s8;
	[bflag:$0x0] =	sbarrier.arrive $0xFFFF  }
.LBB2_3:
0x23: {  	p1 =	seq.s32 s11, $0x0;
	s12 =	smul.u32 $0x1260, s11  }
0x24: {  	s1 =	simm.s32 @!p1 $0x8  }
0x25: {  	_ =	swait.ge @!p1 [sflag:s1], $0x620;
	s10 =	sadd.s32 s12, s14  }
0x26: {  	[sflag:s1] =	ssyncset.done @!p1 $0x0;
	s10 =	sshrl.u32 s10, $0x3  }
0x27: {  	[sflag:s1] =	ssyncadd.s32 @!p1 $0xFFFFF9E0;
	s13 =	sadd.s32 s6, s10  }
0x28: {  	[tilespmem:s22], [sflag:$0x2] =	stream.linear.gather [hbm4b:s13+s4], $0x620, $0x38;
	[tilespmem:$0x1FE80] =	vst v63  }
0x29: {  	s21 =	sadd.s32 s7, s10  }
0x2a: {  	[tilespmem:s23], [sflag:$0x5] =	stream.linear.gather [hbm4b:s21+s4], $0x620, $0x38;
	[tilespmem:$0x1FE80] =	vst v63  }
0x2b: {  	_ =	swait.ge [sflag:s24], $0x620  }
0x2c: {  	[sflag:s24] =	ssyncset.done $0x0  }
0x2d: {  	s13 =	simm.s32 $0x30;
	[sflag:s24] =	ssyncadd.s32 $0xFFFFF9E0  }
0x2e: {  	v1 =	vld [tilespmem:s13+$0x30]  }
0x2f: {  	v2 =	vld [tilespmem:s13+$0xFFFFFFE0]  }
0x30: {  	v3 =	vld [tilespmem:s13+$0xFFFFFFF0]  }
0x31: {  	v8 =	vld [tilespmem:s13+$0xFFFFFFD0];
	_ =	sdelay $0x1  }
0x32: {  	v4 =	vld [tilespmem:s13+$0x0]  }
0x33: {  	v5 =	vld [tilespmem:s13+$0x10];
	v7 =	vand.u32 $0xFFF, v1;
	v9 =	vand.u32 $0xFFF, v2  }
0x34: {  	v6 =	vld [tilespmem:s13+$0x20];
	v1 =	vsub.s32 v1, v0;
	v10 =	vand.u32 $0xFFF, v3;
	v3 =	vsub.s32 v3, v0  }
0x35: {  	v15 =	vand.u32 $0xFFF, v8;
	v8 =	vsub.s32 v8, v0;
	v7 =	vadd.s32 $0x1D6800, v7  }
0x36: {  	s10 =	simm.s32 $0xA0;
	v9 =	vadd.s32 $0x1D6800, v9;
	v10 =	vadd.s32 $0x1D6800, v10;
	v15 =	vadd.s32 $0x1D6800, v15  }
0x37: {  	v12 =	vld [tilespmem:s10+$0x30];
	v1 =	vmin.u32 v1, v7;
	v7 =	vsub.s32 v2, v0;
	v2 =	vand.u32 $0xFFF, v4  }
0x38: {  	v14 =	vld [tilespmem:s10+$0xFFFFFFE0];
	v4 =	vsub.s32 v4, v0;
	v11 =	vadd.s32 $0x1D6800, v2;
	v2 =	vand.u32 $0xFFF, v5  }
0x39: {  	v17 =	vld [tilespmem:s10+$0xFFFFFFF0];
	v8 =	vmin.u32 v8, v15;
	[tilespmem:s13+$0x30] =	vst v1;
	v13 =	vadd.s32 $0x1D6800, v2;
	v2 =	vand.u32 $0xFFF, v6  }
0x3a: {  	v3 =	vmin.u32 v3, v10;
	v5 =	vsub.s32 v5, v0;
	[tilespmem:s13+$0xFFFFFFD0] =	vst v8;
	v16 =	vadd.s32 $0x1D6800, v2;
	v2 =	vld [tilespmem:s10+$0x0]  }
0x3b: {  	v7 =	vmin.u32 v7, v9;
	v1 =	vld [tilespmem:s10+$0x10];
	[tilespmem:s13+$0xFFFFFFF0] =	vst v3;
	v6 =	vsub.s32 v6, v0;
	v8 =	vmin.u32 v4, v11  }
0x3c: {  	v3 =	vld [tilespmem:s10+$0x20];
	[tilespmem:s13+$0xFFFFFFE0] =	vst v7;
	v7 =	vsub.s32 v12, v0;
	v13 =	vmin.u32 v5, v13;
	v5 =	vand.u32 $0xFFF, v12  }
0x3d: {  	v10 =	vld [tilespmem:s10+$0xFFFFFFD0];
	v4 =	vmin.u32 v6, v16;
	v6 =	vand.u32 $0xFFF, v14;
	v9 =	vadd.s32 $0x1D6800, v5  }
0x3e: {  	[tilespmem:s13+$0x0] =	vst v8;
	v5 =	vadd.s32 $0x1D6800, v6;
	v6 =	vand.u32 $0xFFF, v17;
	v9 =	vmin.u32 v7, v9  }
0x3f: {  	[tilespmem:s13+$0x10] =	vst v13;
	v7 =	vsub.s32 v14, v0;
	v6 =	vadd.s32 $0x1D6800, v6;
	v8 =	vand.u32 $0xFFF, v2  }
0x40: {  	s1 =	simm.s32 $0x110;
	s21 =	simm.s32 $0x7;
	[tilespmem:s10+$0x30] =	vst v9;
	v9 =	vsub.s32 v17, v0;
	v11 =	vand.u32 $0xFFF, v1;
	v8 =	vadd.s32 $0x1D6800, v8  }
.LBB2_4:
0x41: {  	v12 =	vld [tilespmem:s1+$0x30];
	s21 =	sadd.s32 $0x7, s21;
	v13 =	vsub.s32 v2, v0;
	v11 =	vadd.s32 $0x1D6800, v11;
	v2 =	vand.u32 $0xFFF, v3;
	[tilespmem:s13+$0x20] =	vst v4;
	s13 =	smov.u32 s10;
	s10 =	smov.u32 s1  }
0x42: {  	v14 =	vld [tilespmem:s1+$0xFFFFFFE0];
	p2 =	slt.u32 s21, $0x5B;
	v4 =	vsub.s32 v10, v0;
	v10 =	vand.u32 $0xFFF, v10;
	v15 =	vadd.s32 $0x1D6800, v2  }
0x43: {  	v17 =	vsub.s32 v1, v0;
	v3 =	vsub.s32 v3, v0;
	v16 =	vld [tilespmem:s1+$0xFFFFFFF0];
	v10 =	vadd.s32 $0x1D6800, v10  }
0x44: {  	v5 =	vmin.u32 v7, v5;
	v6 =	vmin.u32 v9, v6;
	v2 =	vld [tilespmem:s1+$0x0];
	v4 =	vmin.u32 v4, v10  }
0x45: {  	v7 =	vmin.u32 v13, v8;
	v13 =	vmin.u32 v17, v11;
	v1 =	vld [tilespmem:s1+$0x10];
	[tilespmem:s13+$0xFFFFFFD0] =	vst v4;
	v4 =	vmin.u32 v3, v15  }
.Ltmp0:
0x46: {  	v3 =	vld [tilespmem:s1+$0x20];
	v8 =	vand.u32 $0xFFF, v12;
	[tilespmem:s13+$0xFFFFFFE0] =	vst v5;
	(pc) =	sbr.rel @p2 .LBB2_4-.Ltmp0, $4  }
0x47: {  	v9 =	vsub.s32 v12, v0;
	v10 =	vld [tilespmem:s1+$0xFFFFFFD0];
	v5 =	vand.u32 $0xFFF, v14;
	v8 =	vadd.s32 $0x1D6800, v8;
	[tilespmem:s13+$0xFFFFFFF0] =	vst v6  }
0x48: {  	v5 =	vadd.s32 $0x1D6800, v5;
	v6 =	vand.u32 $0xFFF, v16;
	v8 =	vmin.u32 v9, v8;
	[tilespmem:s13+$0x0] =	vst v7  }
0x49: {  	v7 =	vsub.s32 v14, v0;
	v6 =	vadd.s32 $0x1D6800, v6;
	v11 =	vand.u32 $0xFFF, v2;
	[tilespmem:s1+$0x30] =	vst v8  }
0x4a: {  	v9 =	vsub.s32 v16, v0;
	s1 =	sadd.s32 $0x70, s1;
	v8 =	vadd.s32 $0x1D6800, v11;
	v11 =	vand.u32 $0xFFF, v1;
	[tilespmem:s13+$0x10] =	vst v13  }
0x4b: {  	[tilespmem:s13+$0x20] =	vst v4;
	v5 =	vmin.u32 v7, v5;
	v2 =	vsub.s32 v2, v0  }
0x4c: {  	v6 =	vmin.u32 v9, v6;
	v12 =	vand.u32 $0xFFF, v10;
	v10 =	vsub.s32 v10, v0;
	[tilespmem:s10+$0xFFFFFFE0] =	vst v5  }
0x4d: {  	v5 =	vand.u32 $0xFFF, v3;
	v2 =	vmin.u32 v2, v8;
	[tilespmem:s10+$0xFFFFFFF0] =	vst v6;
	v12 =	vadd.s32 $0x1D6800, v12  }
0x4e: {  	v3 =	vsub.s32 v3, v0;
	v5 =	vadd.s32 $0x1D6800, v5;
	[tilespmem:s10+$0x0] =	vst v2;
	v4 =	vmin.u32 v10, v12  }
0x4f: {  	v1 =	vsub.s32 v1, v0;
	v2 =	vmin.u32 v3, v5;
	[tilespmem:s10+$0xFFFFFFD0] =	vst v4;
	v4 =	vadd.s32 $0x1D6800, v11  }
0x50: {  	[tilespmem:s10+$0x20] =	vst v2;
	v1 =	vmin.u32 v1, v4  }
0x51: {  	[tilespmem:s10+$0x10] =	vst v1  }
0x52: {  	_ =	swait.ge [sflag:s25], $0x620  }
0x53: {  	[sflag:s25] =	ssyncset.done $0x0  }
0x54: {  	s1 =	simm.s32 @!p1 $0x9;
	[sflag:s25] =	ssyncadd.s32 $0xFFFFF9E0  }
0x55: {  	[spmem:s3] =	stream.indirect.scatter.add.f32 [tilespmem:s20], [sflag:$0x7], $0x1, s4, s26, $0xb8;
	[tilespmem:$0x1FE80] =	vst v63  }
0x56: {  	s21 =	sadd.s32 s12, s15;
	_ =	swait.ge @!p1 [sflag:s1], $0x620  }
0x57: {  	s10 =	sshrl.u32 s21, $0x3;
	[sflag:s1] =	ssyncset.done @!p1 $0x0  }
0x58: {  	s13 =	sadd.s32 s6, s10;
	[sflag:s1] =	ssyncadd.s32 @!p1 $0xFFFFF9E0  }
0x59: {  	[tilespmem:s28], [sflag:$0x3] =	stream.linear.gather [hbm4b:s13+s4], $0x620, $0x38;
	[tilespmem:$0x1FE80] =	vst v63  }
0x5a: {  	s21 =	sadd.s32 s7, s10  }
0x5b: {  	[tilespmem:s29], [sflag:$0x6] =	stream.linear.gather [hbm4b:s21+s4], $0x620, $0x38;
	[tilespmem:$0x1FE80] =	vst v63  }
0x5c: {  	_ =	swait.ge [sflag:s30], $0x620  }
0x5d: {  	[sflag:s30] =	ssyncset.done $0x0  }
0x5e: {  	s13 =	simm.s32 $0x6B0;
	[sflag:s30] =	ssyncadd.s32 $0xFFFFF9E0  }
0x5f: {  	v1 =	vld [tilespmem:s13+$0x30]  }
0x60: {  	v2 =	vld [tilespmem:s13+$0xFFFFFFE0]  }
0x61: {  	v3 =	vld [tilespmem:s13+$0xFFFFFFF0]  }
0x62: {  	v8 =	vld [tilespmem:s13+$0xFFFFFFD0];
	_ =	sdelay $0x1  }
0x63: {  	v4 =	vld [tilespmem:s13+$0x0]  }
0x64: {  	v5 =	vld [tilespmem:s13+$0x10];
	v7 =	vand.u32 $0xFFF, v1;
	v9 =	vand.u32 $0xFFF, v2  }
0x65: {  	v6 =	vld [tilespmem:s13+$0x20];
	v1 =	vsub.s32 v1, v0;
	v10 =	vand.u32 $0xFFF, v3;
	v3 =	vsub.s32 v3, v0  }
0x66: {  	v15 =	vand.u32 $0xFFF, v8;
	v8 =	vsub.s32 v8, v0;
	v7 =	vadd.s32 $0x1D6800, v7  }
0x67: {  	s10 =	simm.s32 $0x720;
	v9 =	vadd.s32 $0x1D6800, v9;
	v10 =	vadd.s32 $0x1D6800, v10;
	v15 =	vadd.s32 $0x1D6800, v15  }
0x68: {  	v63 =	vld [tilespmem:s10+$0x30];
	v1 =	vmin.u32 v1, v7;
	v7 =	vsub.s32 v2, v0;
	v2 =	vand.u32 $0xFFF, v4  }
0x69: {  	v14 =	vld [tilespmem:s10+$0xFFFFFFE0];
	v4 =	vsub.s32 v4, v0;
	v11 =	vadd.s32 $0x1D6800, v2;
	v2 =	vand.u32 $0xFFF, v5  }
0x6a: {  	v17 =	vld [tilespmem:s10+$0xFFFFFFF0];
	v8 =	vmin.u32 v8, v15;
	[tilespmem:s13+$0x30] =	vst v1;
	v13 =	vadd.s32 $0x1D6800, v2;
	v2 =	vand.u32 $0xFFF, v6  }
0x6b: {  	v3 =	vmin.u32 v3, v10;
	v5 =	vsub.s32 v5, v0;
	[tilespmem:s13+$0xFFFFFFD0] =	vst v8;
	v16 =	vadd.s32 $0x1D6800, v2;
	v2 =	vld [tilespmem:s10+$0x0]  }
0x6c: {  	v7 =	vmin.u32 v7, v9;
	v1 =	vld [tilespmem:s10+$0x10];
	[tilespmem:s13+$0xFFFFFFF0] =	vst v3;
	v6 =	vsub.s32 v6, v0;
	v8 =	vmin.u32 v4, v11  }
0x6d: {  	v3 =	vld [tilespmem:s10+$0x20];
	[tilespmem:s13+$0xFFFFFFE0] =	vst v7;
	v7 =	vsub.s32 v63, v0;
	v13 =	vmin.u32 v5, v13;
	v5 =	vand.u32 $0xFFF, v63  }
0x6e: {  	v10 =	vld [tilespmem:s10+$0xFFFFFFD0];
	v4 =	vmin.u32 v6, v16;
	v6 =	vand.u32 $0xFFF, v14;
	v9 =	vadd.s32 $0x1D6800, v5  }
0x6f: {  	[tilespmem:s13+$0x0] =	vst v8;
	v5 =	vadd.s32 $0x1D6800, v6;
	v6 =	vand.u32 $0xFFF, v17;
	v9 =	vmin.u32 v7, v9  }
0x70: {  	[tilespmem:s13+$0x10] =	vst v13;
	v7 =	vsub.s32 v14, v0;
	v6 =	vadd.s32 $0x1D6800, v6;
	v8 =	vand.u32 $0xFFF, v2  }
0x71: {  	s1 =	simm.s32 $0x790;
	s21 =	simm.s32 $0x7;
	[tilespmem:s10+$0x30] =	vst v9;
	v9 =	vsub.s32 v17, v0;
	v11 =	vand.u32 $0xFFF, v1;
	v8 =	vadd.s32 $0x1D6800, v8  }
.LBB2_6:
0x72: {  	v12 =	vld [tilespmem:s1+$0x30];
	s21 =	sadd.s32 $0x7, s21;
	v13 =	vsub.s32 v2, v0;
	v11 =	vadd.s32 $0x1D6800, v11;
	v2 =	vand.u32 $0xFFF, v3;
	[tilespmem:s13+$0x20] =	vst v4;
	s13 =	smov.u32 s10;
	s10 =	smov.u32 s1  }
0x73: {  	v14 =	vld [tilespmem:s1+$0xFFFFFFE0];
	p1 =	slt.u32 s21, $0x5B;
	v4 =	vsub.s32 v10, v0;
	v10 =	vand.u32 $0xFFF, v10;
	v15 =	vadd.s32 $0x1D6800, v2  }
0x74: {  	v17 =	vsub.s32 v1, v0;
	v3 =	vsub.s32 v3, v0;
	v16 =	vld [tilespmem:s1+$0xFFFFFFF0];
	v10 =	vadd.s32 $0x1D6800, v10  }
0x75: {  	v5 =	vmin.u32 v7, v5;
	v6 =	vmin.u32 v9, v6;
	v2 =	vld [tilespmem:s1+$0x0];
	v4 =	vmin.u32 v4, v10  }
0x76: {  	v7 =	vmin.u32 v13, v8;
	v13 =	vmin.u32 v17, v11;
	v1 =	vld [tilespmem:s1+$0x10];
	[tilespmem:s13+$0xFFFFFFD0] =	vst v4;
	v4 =	vmin.u32 v3, v15  }
.Ltmp1:
0x77: {  	v3 =	vld [tilespmem:s1+$0x20];
	v8 =	vand.u32 $0xFFF, v12;
	[tilespmem:s13+$0xFFFFFFE0] =	vst v5;
	(pc) =	sbr.rel @p1 .LBB2_6-.Ltmp1, $4  }
0x78: {  	v9 =	vsub.s32 v12, v0;
	v10 =	vld [tilespmem:s1+$0xFFFFFFD0];
	v5 =	vand.u32 $0xFFF, v14;
	v8 =	vadd.s32 $0x1D6800, v8;
	[tilespmem:s13+$0xFFFFFFF0] =	vst v6  }
0x79: {  	v5 =	vadd.s32 $0x1D6800, v5;
	v6 =	vand.u32 $0xFFF, v16;
	v8 =	vmin.u32 v9, v8;
	[tilespmem:s13+$0x0] =	vst v7  }
0x7a: {  	v7 =	vsub.s32 v14, v0;
	v6 =	vadd.s32 $0x1D6800, v6;
	v11 =	vand.u32 $0xFFF, v2;
	[tilespmem:s1+$0x30] =	vst v8  }
0x7b: {  	v9 =	vsub.s32 v16, v0;
	s1 =	sadd.s32 $0x70, s1;
	v8 =	vadd.s32 $0x1D6800, v11;
	v11 =	vand.u32 $0xFFF, v1;
	[tilespmem:s13+$0x10] =	vst v13  }
0x7c: {  	[tilespmem:s13+$0x20] =	vst v4;
	v5 =	vmin.u32 v7, v5;
	v2 =	vsub.s32 v2, v0  }
0x7d: {  	v6 =	vmin.u32 v9, v6;
	v12 =	vand.u32 $0xFFF, v10;
	v10 =	vsub.s32 v10, v0;
	[tilespmem:s10+$0xFFFFFFE0] =	vst v5  }
0x7e: {  	v5 =	vand.u32 $0xFFF, v3;
	v2 =	vmin.u32 v2, v8;
	[tilespmem:s10+$0xFFFFFFF0] =	vst v6;
	v12 =	vadd.s32 $0x1D6800, v12  }
0x7f: {  	v3 =	vsub.s32 v3, v0;
	v5 =	vadd.s32 $0x1D6800, v5;
	[tilespmem:s10+$0x0] =	vst v2;
	v4 =	vmin.u32 v10, v12  }
0x80: {  	v1 =	vsub.s32 v1, v0;
	v2 =	vmin.u32 v3, v5;
	[tilespmem:s10+$0xFFFFFFD0] =	vst v4;
	v4 =	vadd.s32 $0x1D6800, v11  }
0x81: {  	[tilespmem:s10+$0x20] =	vst v2;
	v1 =	vmin.u32 v1, v4  }
0x82: {  	[tilespmem:s10+$0x10] =	vst v1  }
0x83: {  	_ =	swait.ge [sflag:s31], $0x620  }
0x84: {  	[sflag:s31] =	ssyncset.done $0x0  }
0x85: {  	p1 =	seq.s32 s11, $0x3F;
	[sflag:s31] =	ssyncadd.s32 $0xFFFFF9E0  }
0x86: {  	[spmem:s3] =	stream.indirect.scatter.add.f32 [tilespmem:s23], [sflag:$0x8], $0x1, s22, s26, $0xb8;
	[tilespmem:$0x1FE80] =	vst v63  }
0x87: {  	s1 =	sadd.s32 @!p1 s12, s16;
	_ =	swait.ge [sflag:s0], $0x620  }
0x88: {  	s1 =	sshrl.u32 @!p1 s1, $0x3;
	[sflag:s0] =	ssyncset.done $0x0  }
0x89: {  	s12 =	simm.s32 @!p1 $0x0;
	s10 =	sadd.s32 @!p1 s6, s1;
	[sflag:s0] =	ssyncadd.s32 $0xFFFFF9E0  }
0x8a: {  	[tilespmem:s12], [sflag:$0x1] =	stream.linear.gather @!p1 [hbm4b:s10+s12], $0x620, $0x38;
	[tilespmem:$0x1FE80] =	vst v63  }
0x8b: {  	s1 =	sadd.s32 @!p1 s7, s1;
	s10 =	simm.s32 @!p1 $0x1380  }
0x8c: {  	[tilespmem:s10], [sflag:$0x4] =	stream.linear.gather @!p1 [hbm4b:s1+s12], $0x620, $0x38;
	[tilespmem:$0x1FE80] =	vst v63  }
0x8d: {  	_ =	swait.ge [sflag:s2], $0x620  }
0x8e: {  	[sflag:s2] =	ssyncset.done $0x0  }
0x8f: {  	s12 =	simm.s32 $0xD30;
	[sflag:s2] =	ssyncadd.s32 $0xFFFFF9E0  }
0x90: {  	v1 =	vld [tilespmem:s12+$0x30]  }
0x91: {  	v2 =	vld [tilespmem:s12+$0xFFFFFFE0]  }
0x92: {  	v3 =	vld [tilespmem:s12+$0xFFFFFFF0]  }
0x93: {  	v8 =	vld [tilespmem:s12+$0xFFFFFFD0];
	_ =	sdelay $0x1  }
0x94: {  	v4 =	vld [tilespmem:s12+$0x0]  }
0x95: {  	v5 =	vld [tilespmem:s12+$0x10];
	v7 =	vand.u32 $0xFFF, v1;
	v9 =	vand.u32 $0xFFF, v2  }
0x96: {  	v6 =	vld [tilespmem:s12+$0x20];
	v1 =	vsub.s32 v1, v0;
	v10 =	vand.u32 $0xFFF, v3;
	v3 =	vsub.s32 v3, v0  }
0x97: {  	v15 =	vand.u32 $0xFFF, v8;
	v8 =	vsub.s32 v8, v0;
	v7 =	vadd.s32 $0x1D6800, v7  }
0x98: {  	s10 =	simm.s32 $0xDA0;
	v9 =	vadd.s32 $0x1D6800, v9;
	v10 =	vadd.s32 $0x1D6800, v10;
	v15 =	vadd.s32 $0x1D6800, v15  }
0x99: {  	v63 =	vld [tilespmem:s10+$0x30];
	v1 =	vmin.u32 v1, v7;
	v7 =	vsub.s32 v2, v0;
	v2 =	vand.u32 $0xFFF, v4  }
0x9a: {  	v14 =	vld [tilespmem:s10+$0xFFFFFFE0];
	v4 =	vsub.s32 v4, v0;
	v11 =	vadd.s32 $0x1D6800, v2;
	v2 =	vand.u32 $0xFFF, v5  }
0x9b: {  	v17 =	vld [tilespmem:s10+$0xFFFFFFF0];
	v8 =	vmin.u32 v8, v15;
	[tilespmem:s12+$0x30] =	vst v1;
	v13 =	vadd.s32 $0x1D6800, v2;
	v2 =	vand.u32 $0xFFF, v6  }
0x9c: {  	v3 =	vmin.u32 v3, v10;
	v5 =	vsub.s32 v5, v0;
	[tilespmem:s12+$0xFFFFFFD0] =	vst v8;
	v16 =	vadd.s32 $0x1D6800, v2;
	v2 =	vld [tilespmem:s10+$0x0]  }
0x9d: {  	v7 =	vmin.u32 v7, v9;
	v1 =	vld [tilespmem:s10+$0x10];
	[tilespmem:s12+$0xFFFFFFF0] =	vst v3;
	v6 =	vsub.s32 v6, v0;
	v8 =	vmin.u32 v4, v11  }
0x9e: {  	v3 =	vld [tilespmem:s10+$0x20];
	[tilespmem:s12+$0xFFFFFFE0] =	vst v7;
	v7 =	vsub.s32 v63, v0;
	v13 =	vmin.u32 v5, v13;
	v5 =	vand.u32 $0xFFF, v63  }
0x9f: {  	v10 =	vld [tilespmem:s10+$0xFFFFFFD0];
	v4 =	vmin.u32 v6, v16;
	v6 =	vand.u32 $0xFFF, v14;
	v9 =	vadd.s32 $0x1D6800, v5  }
0xa0: {  	[tilespmem:s12+$0x0] =	vst v8;
	v5 =	vadd.s32 $0x1D6800, v6;
	v6 =	vand.u32 $0xFFF, v17;
	v9 =	vmin.u32 v7, v9  }
0xa1: {  	[tilespmem:s12+$0x10] =	vst v13;
	v7 =	vsub.s32 v14, v0;
	v6 =	vadd.s32 $0x1D6800, v6;
	v8 =	vand.u32 $0xFFF, v2  }
0xa2: {  	s13 =	simm.s32 $0x7;
	s1 =	simm.s32 $0xE10;
	[tilespmem:s10+$0x30] =	vst v9;
	v9 =	vsub.s32 v17, v0;
	v11 =	vand.u32 $0xFFF, v1;
	v8 =	vadd.s32 $0x1D6800, v8  }
.LBB2_8:
0xa3: {  	v12 =	vld [tilespmem:s1+$0x30];
	s13 =	sadd.s32 $0x7, s13;
	v13 =	vsub.s32 v2, v0;
	v11 =	vadd.s32 $0x1D6800, v11;
	v2 =	vand.u32 $0xFFF, v3;
	[tilespmem:s12+$0x20] =	vst v4;
	s12 =	smov.u32 s10;
	s10 =	smov.u32 s1  }
0xa4: {  	v14 =	vld [tilespmem:s1+$0xFFFFFFE0];
	p1 =	slt.u32 s13, $0x5B;
	v4 =	vsub.s32 v10, v0;
	v10 =	vand.u32 $0xFFF, v10;
	v15 =	vadd.s32 $0x1D6800, v2  }
0xa5: {  	v17 =	vsub.s32 v1, v0;
	v3 =	vsub.s32 v3, v0;
	v16 =	vld [tilespmem:s1+$0xFFFFFFF0];
	v10 =	vadd.s32 $0x1D6800, v10  }
0xa6: {  	v5 =	vmin.u32 v7, v5;
	v6 =	vmin.u32 v9, v6;
	v2 =	vld [tilespmem:s1+$0x0];
	v4 =	vmin.u32 v4, v10  }
0xa7: {  	v7 =	vmin.u32 v13, v8;
	v13 =	vmin.u32 v17, v11;
	v1 =	vld [tilespmem:s1+$0x10];
	[tilespmem:s12+$0xFFFFFFD0] =	vst v4;
	v4 =	vmin.u32 v3, v15  }
.Ltmp2:
0xa8: {  	v3 =	vld [tilespmem:s1+$0x20];
	v8 =	vand.u32 $0xFFF, v12;
	[tilespmem:s12+$0xFFFFFFE0] =	vst v5;
	(pc) =	sbr.rel @p1 .LBB2_8-.Ltmp2, $4  }
0xa9: {  	v9 =	vsub.s32 v12, v0;
	v10 =	vld [tilespmem:s1+$0xFFFFFFD0];
	v5 =	vand.u32 $0xFFF, v14;
	v8 =	vadd.s32 $0x1D6800, v8;
	[tilespmem:s12+$0xFFFFFFF0] =	vst v6  }
0xaa: {  	v5 =	vadd.s32 $0x1D6800, v5;
	v6 =	vand.u32 $0xFFF, v16;
	v8 =	vmin.u32 v9, v8;
	[tilespmem:s12+$0x0] =	vst v7  }
0xab: {  	v7 =	vsub.s32 v14, v0;
	v6 =	vadd.s32 $0x1D6800, v6;
	v11 =	vand.u32 $0xFFF, v2;
	[tilespmem:s1+$0x30] =	vst v8  }
0xac: {  	v9 =	vsub.s32 v16, v0;
	s1 =	sadd.s32 $0x70, s1;
	v8 =	vadd.s32 $0x1D6800, v11;
	v11 =	vand.u32 $0xFFF, v1;
	[tilespmem:s12+$0x10] =	vst v13  }
0xad: {  	[tilespmem:s12+$0x20] =	vst v4;
	v5 =	vmin.u32 v7, v5;
	v2 =	vsub.s32 v2, v0  }
0xae: {  	v62 =	vadd.s32 $0x1D6800, v11;
	v6 =	vmin.u32 v9, v6;
	v63 =	vand.u32 $0xFFF, v3;
	[tilespmem:s10+$0xFFFFFFE0] =	vst v5  }
0xaf: {  	v1 =	vsub.s32 v1, v0;
	v3 =	vsub.s32 v3, v0;
	v2 =	vmin.u32 v2, v8;
	[tilespmem:s10+$0xFFFFFFF0] =	vst v6  }
0xb0: {  	v12 =	vand.u32 $0xFFF, v10;
	v5 =	vadd.s32 $0x1D6800, v63;
	v1 =	vmin.u32 v1, v62;
	[tilespmem:s10+$0x0] =	vst v2  }
0xb1: {  	s11 =	sadd.s32 $0x1, s11;
	v60 =	vsub.s32 v10, v0;
	v12 =	vadd.s32 $0x1D6800, v12;
	v2 =	vmin.u32 v3, v5;
	[tilespmem:s10+$0x10] =	vst v1  }
0xb2: {  	p1 =	sne.s32 s11, $0x40;
	v61 =	vmin.u32 v60, v12;
	[tilespmem:s10+$0x20] =	vst v2  }
.Ltmp3:
0xb3: {  	[tilespmem:s10+$0xFFFFFFD0] =	vst v61;
	(pc) =	sbr.rel @p1 .LBB2_3-.Ltmp3, $4  }
0xb4: {  	_ =	swait.ge [sflag:s18], $0x620  }
0xb5: {  	[sflag:s18] =	ssyncset.done $0x0  }
0xb6: {  	[sflag:s18] =	ssyncadd.s32 $0xFFFFF9E0  }
0xb7: {  	[spmem:s3] =	stream.indirect.scatter.add.f32 [tilespmem:s29], [sflag:$0x9], $0x1, s28, s26, $0xb8;
	[tilespmem:$0x1FE80] =	vst v63  }
0xb8: {  	s1 =	simm.s32 $0x8  }
0xb9: {  	_ =	swait.ge [sflag:s1], $0x620  }
0xba: {  	[sflag:s1] =	ssyncset.done $0x0  }
0xbb: {  	[sflag:s1] =	ssyncadd.s32 $0xFFFFF9E0  }
0xbc: {  	_ =	swait.ge [sflag:s5], $0x620  }
0xbd: {  	[sflag:s5] =	ssyncset.done $0x0  }
0xbe: {  	p1 =	sne.s32 @!p0 s9, $0x9;
	[sflag:s5] =	ssyncadd.s32 $0xFFFFF9E0  }
0xbf: {  	p1 =	por p0, p1;
	[bflag:$0x0] =	sbarrier.arrive $0xFFFF  }
0xc0: {  	s8 =	simm.s32 @!p1 $0x1FCC;
	s1 =	rddreg @!p1 [dreg:$0xb]  }
0xc1: {  	[hbm:s1], [sflag:s8] =	dma.local @!p1 [spmem:s19], $0x38D0  }
0xc2: {  	s1 =	simm.s32 @!p1 $0xC  }
0xc3: {  	_ =	swait.ge @!p1 [sflag:s1], $0x38D0  }
0xc4: {  	[sflag:s1] =	ssyncset.done @!p1 $0x0  }
0xc5: {  	[sflag:s1] =	ssyncadd.s32 @!p1 $0xFFFFC730;
	s1 =	rddreg @p1 [dreg:$0x4]  }
0xc6: {  	s1 =	sadd.s32 @p1 s1, s8  }
0xc7: {  	s8 =	rddreg @p1 [dreg:$0x1];
	s1 =	sshrl.u32 @p1 s1, $0x3  }
0xc8: {  	s1 =	sadd.s32 @p1 s8, s1;
	s8 =	rddreg @p1 [dreg:$0x7]  }
0xc9: {  	s8 =	sor.u32 @p1 $0x1C0B, s8  }
0xca: {  	[hbm:s1], [sflag:s8] =	dma.local @p1 [spmem:s19], $0x3AD0  }
0xcb: {  	s1 =	simm.s32 @p1 $0xB  }
0xcc: {  	_ =	swait.ge @p1 [sflag:s1], $0x3AD0  }
0xcd: {  	s17 =	sadd.s32 $0x1, s17;
	[sflag:s1] =	ssyncset.done @p1 $0x0  }
0xce: {  	[sflag:s1] =	ssyncadd.s32 @p1 $0xFFFFC530;
	p1 =	sne.s32 s17, $0x5  }
.Ltmp4:
0xcf: {  	_ = 	snop;
	(pc) =	sbr.rel @p1 .LBB2_2-.Ltmp4, $1  }
0xd0: {  	_ =	sdelay $0x3  }
0xd1: {  	s8 =	rddreg [dreg:$0xd]  }
0xd2: {  	s1 =	rddreg [dreg:$0xc];
	s8 =	sadd.s32 $0x1, s8  }
0xd3: {  	p1 =	sne.s32 s8, s1  }
.Ltmp5:
0xd4: {  	_ = 	snop;
	(pc) =	sbr.rel @p1 .LBB2_1-.Ltmp5, $1  }
0xd5: {  	_ =	sdelay $0x3  }
0xd6: {  	_ =	sfence.sel $0x180000  }
0xd7: {  	[bflag:$0x0] =	sbarrier.arrive $0xFFFF  }
0xd8: {  	_ =	strace $0x90000047  }
0xd9: {  	s0 =	stileid.u32;
	[bflag:$0x2] =	sbarrier.arrive $0xFFFF  }
0xda: {  	p0 =	sne.s32 s0, $0x0;
	s0 =	rddreg [dreg:$0x3]  }
0xdb: {  	s0 =	sadd.s32 @!p0 $0x100000, s0  }
0xdc: {  	[sflag:s0] =	ssyncadd.tile.s32 @!p0 $0x1;
	_ =	shalt  }
.Lfunc_end2:
_tile_overlayer_lowered:
.L_overlay_start_2:
0xdd: {  	(tag) =	ssettag $0x2  }
0xde: {  	s0 =	rddreg [dreg:$0x0];
	s2 =	stileid.u32  }
0xdf: {  	s1 =	rddreg [dreg:$0x1];
	p0 =	sne.s32 s2, $0x0  }
0xe0: {  	s3 =	rddreg [dreg:$0x2];
	[bflag:$0x3] =	sbarrier.arrive $0xFFFF;
	s2 =	simm.s32 @!p0 $0x1C0B  }
0xe1: {  	[timem:s3], [sflag:s2] =	dma.local @!p0 [hbm:s0], s1  }
0xe2: {  	s0 =	simm.s32 @!p0 $0xB  }
0xe3: {  	_ =	swait.ge @!p0 [sflag:s0], s1  }
0xe4: {  	s1 =	ssub.s32 @!p0 $0x0, s1;
	[sflag:s0] =	ssyncset.done @!p0 $0x0  }
0xe5: {  	[sflag:s0] =	ssyncadd.s32 @!p0 s1  }
0xe6: {  	[bflag:$0x3] =	sbarrier.arrive $0xFFFF  }
0xe7: {  	_ =	shalt  }

// kernel: sparse-core-data-format-call.cloned.1.call-start
scs
called_computation_lowered:
.L_overlay_start_0:
0x0: {  	s2 =	sld [smem:$0x3FD9]  }
0x1: {  	s3 =	sld [smem:$0x3FFE];
	_ =	sdelay $0x1  }
0x2: {  	s1 =	srdreg.scid  }
0x3: {  	s0 =	sand.u32 $0x1, s1  }
0x4: {  	s18 =	sshll.u32 s0, $0xA;
	s2 =	sadd.s32 s3, s2  }
0x5: {  	s2 =	sadd.s32 s2, s18  }
0x6: {  	[smem:$0x3FC6] =	sst s2  }
0x7: {  	_ = 	snop  }
0x8: {  	s2 =	sld [smem:$0x3FD0];
	(tm) =	ssettm $0x1  }
0x9: {  	s19 =	sld [smem:$0x3FFB];
	_ =	sdelay $0x3  }
0xa: {  	_ =	strace s19  }
0xb: {  	s3 =	sld [smem:$0x3FFC];
	_ =	sdelay $0x3  }
0xc: {  	_ =	strace s3  }
0xd: {  	s3 =	sld [smem:$0x3FFD];
	_ =	sdelay $0x3  }
0xe: {  	_ =	strace s3  }
0xf: {  	_ =	strace $0x8FFFFFFF  }
0x10: {  	s20 =	sld [smem:$0x3FDB];
	_ =	sdelay $0x1  }
0x11: {  	s4 =	simm.s32 $_scs_section_size  }
0x12: {  	s5 =	simm.s32 $_size__tile_overlayer_lowered;
	s6 =	simm.s32 $_tile_overlayer_lowered  }
0x13: {  	s23 =	simm.s32 $0x1BFF;
	s22 =	sshll.u32 s6, $0x1;
	s3 =	sadd.s32 s4, s20  }
0x14: {  	s7 =	simm.s32 $0x0;
	s21 =	sshll.u32 s5, $0x1;
	s5 =	sadd.s32 s22, s3  }
0x15: {  	[timem:s7], [sflag:s23] =	dma.local [hbm:s5], s21  }
0x16: {  	_ =	swait.ge [sflag:s23], s21  }
0x17: {  	s4 =	ssub.s32 $0x0, s21;
	[sflag:s23] =	ssyncset.done $0x0  }
0x18: {  	[sflag:s23] =	ssyncadd.s32 s4;
	_ =	sdelay $0x1  }
0x19: {  	s24 =	simm.s32 $0x1B8B  }
0x1a: {  	_ =	swait.ge [sflag:s24], $0x1  }
0x1b: {  	[sflag:s24] =	ssyncset.done $0x0  }
0x1c: {  	s26 =	simm.s32 $0x1B8E;
	s25 =	sld [smem:$0x3FFE];
	[sflag:s24] =	ssyncadd.s32 $0xFFFFFFFF  }
0x1d: {  	s27 =	simm.s32 $execute0_lowered;
	[smem:$0x3FD2] =	sst s26  }
0x1e: {  	s5 =	sshll.u32 s27, $0x1;
	_ =	strace $0x80000049;
	[dreg:$0x1] =	wrdreg $0xFFFFFFFF  }
0x1f: {  	s28 =	simm.s32 $_size_execute0_lowered;
	s3 =	sadd.s32 s3, s5;
	[dreg:$0x0] =	wrdreg $0x0  }
0x20: {  	s5 =	sshll.u32 s28, $0x1;
	[dreg:$0x2] =	wrdreg s3  }
0x21: {  	[dreg:$0x3] =	wrdreg s5  }
0x22: {  	[dreg:$0x4] =	wrdreg $0xC0  }
0x23: {  	_ =	task [dreg:s7], $0x5FFFF  }
0x24: {  	[dreg:$0x1] =	wrdreg $0xFFFFFFFF  }
0x25: {  	[dreg:$0x0] =	wrdreg $0x60  }
0x26: {  	[dreg:$0x2] =	wrdreg s25  }
0x27: {  	[dreg:$0x3] =	wrdreg s2  }
0x28: {  	[dreg:$0x4] =	wrdreg $0x9  }
0x29: {  	_ =	task.clear_ibuf [dreg:s7], $0x5FFFF;
	_ =	strace $0x90000049  }
0x2a: {  	s29 =	simm.s32 $0x9;
	_ =	strace $0x8000004B  }
0x2b: {  	_ =	swait.ge [sflag:s29], $0x1  }
0x2c: {  	[sflag:s29] =	ssyncadd.s32 $0xFFFFFFFF  }
0x2d: {  	_ =	strace $0x9000004B  }
0x2e: {  	_ =	sfence  }
0x2f: {  	s30 =	sld [smem:$0x0];
	_ =	sdelay $0x2  }
0x30: {  	s31 =	sshll.u32 s1, $0xD;
	s1 =	sshrl.u32 s1, $0x2  }
0x31: {  	s3 =	sand.u32 $0x4000, s31;
	s1 =	sadd.s32 s1, s30  }
0x32: {  	s0 =	sor.u32 s3, s0;
	s1 =	sshll.u32 s1, $0x11  }
0x33: {  	s0 =	sor.u32 s1, s0  }
0x34: {  	s0 =	sadd.s32 $0x8F2B, s0  }
0x35: {  	[sflag:s0] =	ssyncadd.remote.s32 $0x1  }
0x36: {  	_ =	sfence.sel $0xFFFF  }
0x37: {  	[dreg:$0x0] =	wrdreg $0xFFFFFFFF;
	(pc) =	sbr.abs _section_cstart, $3  }
0x38: {  	[dreg:$0x1] =	wrdreg $0xFFFFFFFF  }
0x39: {  	_ =	task.clear_ibuf [dreg:s7], $0x2FFFF;
	_ =	strace $0x9FFFFFFF  }
0x3a: {  	(tm) =	ssettm $0x7FFFFFFF  }
0x3b: {  	_ =	shalt  }
tec
execute0_lowered:
.L_overlay_start_1:
0x0: {  	(tag) =	ssettag $0x1  }
0x1: {  	s0 =	rddreg [dreg:$0x0]  }
0x2: {  	s1 =	srdreg.scid;
	_ =	strace $0x8000004A;
	s2 =	stileid.u32  }
0x3: {  	s30 =	simm.s32 $0x1;
	s31 =	simm.s32 $0x2;
	s15 =	simm.s32 $0x0  }
0x4: {  	s16 =	simm.s32 $0x0;
	s17 =	simm.s32 $0x0;
	s8 =	simm.s32 $0x0  }
0x5: {  	s10 =	simm.s32 $0x0;
	s12 =	simm.s32 $0x0;
	s11 =	simm.s32 $0x0  }
.Ltmp0:
0x6: {  	s9 =	simm.s32 $0x0;
	s29 =	sshll.u32 s1, $0x4;
	(pc) =	sbr.rel .LBB1_1-.Ltmp0, $4  }
0x7: {  	s6 =	sadd.s32 $0x800, s0;
	[sflag:s30] =	ssyncpa.u1 $0x0;
	s0 =	sand.u32 $0x10, s29  }
0x8: {  	s7 =	sand.u32 $0x3, s2;
	[dreg:$0x3] =	wrdreg s6;
	s0 =	sor.u32 s2, s0  }
0x9: {  	[sflag:s31] =	ssyncpa.u1 $0x0;
	[dreg:$0x4] =	wrdreg s7;
	s22 =	sshrl.u32 s0, $0x2  }
0xa: {  	s14 =	smov.u32 s7;
	s13 =	smov.u32 s22;
	[dreg:$0x5] =	wrdreg s22  }
.LBB1_9:
0xb: {  	p0 =	sgt.s32 s8, $0x80;
	s3 =	smul.u32 $0xA8000, s12  }
0xc: {  	s0 =	smov.u32 s8;
	s1 =	sshrl.u32 s8, $0x5;
	s27 =	smul.u32 $0xC00, s10  }
0xd: {  	s4 =	sshrl.u32 s8, $0x3;
	s5 =	rddreg [dreg:$0x1];
	s0 =	simm.s32 @!p0 $0x80  }
0xe: {  	s28 =	sand.u32 $0x7, s8;
	s1 =	sand.u32 $0xFFFFFC, s1;
	s0 =	sadd.s32 s19, s0  }
0xf: {  	s29 =	rddreg [dreg:$0x6];
	s26 =	smulhi.u32 $0x2AAAAAB, s1;
	s2 =	sadd.s32 $0xFFFFFF80, s0  }
0x10: {  	s6 =	rddreg [dreg:$0x3];
	s0 =	ssub.s32 $0x100, s0;
	p0 =	sgt.s32 s2, $0x7F  }
0x11: {  	s7 =	rddreg [dreg:$0x4];
	s2 =	smul.u32 $0x60, s26;
	s0 =	simm.s32 @p0 $0x0  }
0x12: {  	s31 =	simm.s32 $0x800;
	s22 =	rddreg [dreg:$0x5];
	s0 =	smul.u32 s0, s18  }
0x13: {  	s4 =	sand.u32 $0xF, s4;
	s3 =	sadd.s32 s5, s3;
	s1 =	ssub.s32 s1, s2  }
0x14: {  	s2 =	sadd.s32 s27, s3;
	s3 =	sshll.u32 s28, $0x12;
	s0 =	smul.u32 $0x60, s0  }
0x15: {  	s1 =	sshll.u32 s1, $0x5;
	s2 =	sadd.s32 s4, s2;
	s4 =	sor.u32 $0x8000, s29  }
0x16: {  	s30 =	sor.u32 $0x400, s3;
	s1 =	sadd.s32 s1, s2;
	s0 =	sand.u32 $0x3FFFFFE0, s0  }
0x17: {  	[hbm4b:s1+s30] =	stream.strided.scatter [tilespmem:s4], [sflag:$0x2], s0, s31, s30, $0x20;
	[tilespmem:$0x10100] =	vst v63  }
.LBB1_10:
0x18: {  	p0 =	slt.u32 s9, $0x2  }
0x19: {  	p1 =	sgt.s32 @!p0 s17, $0x3  }
0x1a: {  	s0 =	smov.u32 s17;
	s1 =	sshra.s32 @!p0 s17, $0x1F;
	p1 =	por !p1, p0  }
0x1b: {  	s2 =	smov.u32 s16;
	s1 =	sand.u32 @!p0 s1, s17;
	s0 =	simm.s32 @p1 $0x3  }
0x1c: {  	s3 =	sshra.s32 @!p0 s16, $0x1F;
	p1 =	sgt.s32 @!p0 s16, $0xDF;
	s0 =	ssub.s32 @!p0 s0, s1  }
0x1d: {  	s4 =	sshra.s32 @!p0 s15, $0x1F;
	p2 =	por !p1, p0;
	s1 =	sadd.s32 @!p0 $0xFFFFFFFD, s0  }
0x1e: {  	s2 =	simm.s32 @p2 $0xDF;
	p1 =	sgt.s32 @!p0 s1, $0x0;
	s1 =	sand.u32 @!p0 s3, s16  }
0x1f: {  	s0 =	ssub.s32 @!p0 $0x4, s0;
	p2 =	sgt.s32 @!p0 s15, $0x80;
	s1 =	ssub.s32 @!p0 s2, s1  }
0x20: {  	p2 =	por !p2, p0;
	s3 =	smov.u32 s15;
	s2 =	sadd.s32 @!p0 $0xFFFFFF21, s1  }
0x21: {  	s3 =	simm.s32 @p2 $0x80;
	p2 =	sgt.s32 @!p0 s2, $0x0;
	s2 =	sand.u32 @!p0 s4, s15  }
0x22: {  	s0 =	smul.u32 @!p0 $0x60, s0;
	p1 =	por !p1, p0;
	s2 =	ssub.s32 @!p0 s3, s2  }
0x23: {  	s1 =	ssub.s32 @!p0 $0xE0, s1;
	p2 =	por !p2, p0;
	s3 =	sadd.s32 @!p0 $0xFFFFFF80, s2  }
0x24: {  	s0 =	simm.s32 @!p1 $0x0;
	s1 =	simm.s32 @!p2 $0x0;
	p2 =	sgt.s32 @!p0 s3, $0x7F  }
0x25: {  	s2 =	ssub.s32 @!p0 $0x100, s2;
	s0 =	smul.u32 @!p0 s1, s0;
	p1 =	por !p2, p0  }
0x26: {  	s1 =	sadd.s32 $0x80, s11;
	s3 =	smov.u32 s13;
	s2 =	simm.s32 @!p1 $0x0  }
0x27: {  	p1 =	sgt.s32 s1, $0xDF;
	s0 =	smul.u32 @!p0 s2, s0;
	s2 =	sadd.s32 $0x8, s13  }
0x28: {  	s3 =	smov.u32 @p1 s2  }
0x29: {  	s5 =	smov.u32 s14;
	s2 =	sadd.s32 $0x4, s14;
	p2 =	sgt.s32 s3, $0xDF  }
0x2a: {  	s9 =	sadd.s32 $0x1, s9;
	s5 =	smov.u32 @p2 s2  }
0x2b: {  	s17 =	smov.u32 s12;
	s1 =	simm.s32 @p1 $0x0;
	p1 =	sgt.s32 s5, $0x3  }
0x2c: {  	s12 =	smov.u32 s14;
	s5 =	smov.u32 @p1 s7;
	p1 =	sne.s32 s9, $0x3A  }
.Ltmp1:
0x2d: {  	s16 =	smov.u32 s10;
	s10 =	smov.u32 s13;
	(pc) =	sbr.rel @!p1 .LBB1_11-.Ltmp1, $4  }
0x2e: {  	s4 =	simm.s32 @!p0 $0x2;
	s15 =	smov.u32 s8;
	s0 =	sand.u32 @!p0 $0x3FFFFFE0, s0  }
0x2f: {  	s8 =	smov.u32 s11;
	s11 =	smov.u32 s1;
	_ =	swait.ge @!p0 [sflag:s4], s0  }
0x30: {  	s0 =	ssub.s32 @!p0 $0x0, s0;
	s3 =	smov.u32 @p2 s22;
	[sflag:s4] =	ssyncset.done @!p0 $0x0  }
0x31: {  	s13 =	smov.u32 s3;
	[sflag:s4] =	ssyncadd.s32 @!p0 s0;
	s14 =	smov.u32 s5  }
.LBB1_1:
0x32: {  	p0 =	sgt.u32 s9, $0x37;
	s18 =	smov.u32 s14  }
0x33: {  	s0 =	sand.u32 @!p0 $0x1FFFFFF, s11;
	p1 =	sgt.s32 @!p0 s14, $0x3;
	s19 =	sshra.s32 @!p0 s14, $0x1F  }
0x34: {  	s20 =	sshra.s32 @!p0 s13, $0x1F;
	s1 =	smulhi.u32 @!p0 $0x2492493, s0;
	p1 =	por !p1, p0  }
0x35: {  	s19 =	sand.u32 @!p0 s19, s14;
	s20 =	sand.u32 @!p0 s20, s13;
	s18 =	simm.s32 @p1 $0x3  }
0x36: {  	p1 =	sgt.s32 @!p0 s13, $0xDF;
	s1 =	sshrl.u32 @!p0 s1, $0x1;
	s18 =	ssub.s32 @!p0 s18, s19  }
0x37: {  	p1 =	por !p1, p0;
	s19 =	smov.u32 s13;
	s1 =	smul.u32 @!p0 $0xE0, s1  }
0x38: {  	s19 =	simm.s32 @p1 $0xDF;
	p1 =	sgt.s32 @!p0 s11, $0x60;
	s18 =	sadd.s32 @!p0 $0xFFFFFFFD, s18  }
0x39: {  	s19 =	ssub.s32 @!p0 s19, s20;
	p1 =	por !p1, p0;
	s20 =	smov.u32 s11  }
0x3a: {  	p2 =	sgt.s32 @!p0 s18, $0x0;
	s18 =	sshll.u32 @!p0 s18, $0x7;
	s21 =	sadd.s32 @!p0 $0xFFFFFF21, s19  }
0x3b: {  	s20 =	simm.s32 @p1 $0x60;
	p1 =	sgt.s32 @!p0 s21, $0x0;
	s21 =	sshra.s32 @!p0 s11, $0x1F  }
0x3c: {  	s19 =	ssub.s32 @!p0 $0xE0, s19;
	s18 =	ssub.s32 @!p0 $0x80, s18;
	s21 =	sand.u32 @!p0 s21, s11  }
0x3d: {  	p2 =	por !p2, p0;
	p1 =	por !p1, p0;
	s20 =	ssub.s32 @!p0 s20, s21  }
0x3e: {  	s18 =	simm.s32 @!p2 $0x0;
	s19 =	simm.s32 @!p1 $0x0;
	s21 =	sadd.s32 @!p0 $0xFFFFFFA0, s20  }
0x3f: {  	s0 =	ssub.s32 @!p0 s0, s1;
	s18 =	smul.u32 @!p0 s19, s18;
	p1 =	sgt.s32 @!p0 s21, $0x7F  }
0x40: {  	s19 =	ssub.s32 @!p0 $0xE0, s20;
	s20 =	smul.u32 @!p0 $0xC4000, s14;
	p1 =	por !p1, p0  }
0x41: {  	s1 =	smul.u32 @!p0 $0xE00, s13;
	s21 =	sxor.u32 @!p0 $0xFFFFFFFF, s9;
	s19 =	simm.s32 @!p1 $0x0  }
0x42: {  	s21 =	sshll.u32 @!p0 s21, $0xE;
	s18 =	smul.u32 @!p0 s19, s18;
	s19 =	sadd.s32 @!p0 s6, s20  }
0x43: {  	s0 =	sshll.u32 @!p0 s0, $0x4;
	s20 =	sand.u32 @!p0 $0x4000, s21;
	s1 =	sadd.s32 @!p0 s1, s19  }
0x44: {  	s18 =	sand.u32 @!p0 $0x3FFFFF80, s18;
	s0 =	sadd.s32 @!p0 s0, s1;
	s1 =	simm.s32 @!p0 $0x0  }
0x45: {  	[tilespmem:s20], [sflag:$0x1] =	stream.linear.gather @!p0 [hbm4b:s0+s1], s18, $0x38;
	[tilespmem:$0x10100] =	vst v63  }
0x46: {  	p0 =	seq.s32 s9, $0x0  }
0x47: {  	p1 =	seq.s32 @!p0 s9, $0x39  }
0x48: {  	p0 =	por p0, p1  }
.Ltmp2:
0x49: {  	_ = 	snop;
	(pc) =	sbr.rel @p0 .LBB1_10-.Ltmp2, $1  }
0x4a: {  	_ =	sdelay $0x3  }
0x4b: {  	p0 =	sgt.s32 s12, $0x3;
	s0 =	smov.u32 s12;
	s1 =	sshra.s32 s12, $0x1F  }
0x4c: {  	s18 =	sshra.s32 s10, $0x1F;
	s26 =	ssub.s32 $0x0, s8;
	s27 =	sshra.s32 s8, $0x1F  }
0x4d: {  	p1 =	sgt.s32 s8, $0x60;
	s20 =	smov.u32 s8;
	s0 =	simm.s32 @!p0 $0x3  }
0x4e: {  	s1 =	sand.u32 s1, s12;
	p0 =	sgt.s32 s10, $0xDF;
	s18 =	sand.u32 s18, s10  }
0x4f: {  	s20 =	simm.s32 @!p1 $0x60;
	s0 =	ssub.s32 s0, s1;
	s1 =	smov.u32 s10  }
0x50: {  	s19 =	sadd.s32 $0xFFFFFFFD, s0;
	s1 =	simm.s32 @!p0 $0xDF;
	s0 =	ssub.s32 $0x4, s0  }
0x51: {  	p0 =	sgt.s32 s19, $0x0;
	s1 =	ssub.s32 s1, s18;
	s19 =	sand.u32 s26, s27  }
0x52: {  	s21 =	sadd.s32 $0xFFFFFF21, s1;
	s1 =	ssub.s32 $0xE0, s1;
	s18 =	sadd.s32 s19, s20  }
0x53: {  	s0 =	simm.s32 @p0 $0x0;
	p1 =	sgt.s32 s21, $0x0;
	s20 =	sadd.s32 $0xFFFFFFA0, s18  }
0x54: {  	s1 =	simm.s32 @p1 $0x0;
	s28 =	sshll.u32 s20, $0x7;
	p0 =	sgt.s32 s20, $0x7F  }
0x55: {  	s18 =	smul.u32 s0, s1;
	s0 =	ssub.s32 $0x4000, s28;
	s1 =	sadd.s32 $0x1, s12  }
0x56: {  	s20 =	sadd.s32 $0x1, s10;
	s0 =	simm.s32 @p0 $0x0;
	p0 =	slt.s32 s1, $0x4  }
0x57: {  	s1 =	simm.s32 @!p0 $0x4;
	p0 =	slt.s32 s20, $0xE0  }
0x58: {  	s21 =	ssub.s32 s1, s12;
	s20 =	simm.s32 @!p0 $0xE0;
	s1 =	sadd.s32 $0x80, s8  }
0x59: {  	s22 =	ssub.s32 s20, s10;
	p1 =	slt.s32 s1, $0xE0;
	p0 =	slt.s32 s21, $0x1  }
0x5a: {  	s1 =	simm.s32 @!p1 $0xE0;
	p1 =	slt.s32 @!p0 s22, $0x1  }
0x5b: {  	s23 =	ssub.s32 s1, s8;
	p1 =	por p0, p1  }
0x5c: {  	p2 =	slt.s32 @!p1 s23, $0x1  }
0x5d: {  	s0 =	smul.u32 s18, s0;
	p1 =	por p1, p2  }
.Ltmp3:
0x5e: {  	_ = 	snop;
	(pc) =	sbr.rel @p1 .LBB1_9-.Ltmp3, $4  }
0x5f: {  	s2 =	simm.s32 $0x1;
	s29 =	sand.u32 $0x3FFFFF80, s0;
	s0 =	sand.u32 $0x1, s9  }
0x60: {  	_ =	swait.ge [sflag:s2], s29;
	s31 =	smul.u32 $0x4080, s0  }
0x61: {  	s30 =	ssub.s32 $0x0, s29;
	[sflag:s2] =	ssyncset.done $0x0  }
0x62: {  	[sflag:s2] =	ssyncadd.s32 s30;
	[dreg:$0x6] =	wrdreg s31  }
0x63: {  	s24 =	sshll.u32 @!p0 s0, $0xE;
	s0 =	rddreg [dreg:$0x6]  }
0x64: {  	s26 =	simm.s32 $0x0;
	s25 =	sor.u32 @!p0 $0x8000, s0  }
.LBB1_4:
0x65: {  	s27 =	simm.s32 $0x0  }
.LBB1_5:
0x66: {  	s0 =	sadd.s32 s26, s27  }
0x67: {  	s1 =	sshll.u32 s0, $0x10  }
0x68: {  	s1 =	sshra.s32 s1, $0x2  }
0x69: {  	s1 =	sadd.s32 s1, s24  }
0x6a: {  	s29 =	simm.s32 $0x0;
	s7 =	simm.s32 $0x0;
	s0 =	smul.u32 $0x10200, s0;
	v0 =	vmov s1  }
0x6b: {  	s31 =	simm.s32 $0x10;
	s4 =	simm.s32 $0x30;
	s3 =	simm.s32 $0x50  }
0x6c: {  	s31 =	sand.u32 $0x78, s31;
	s4 =	sand.u32 $0x78, s4;
	s0 =	sshra.s32 s0, $0x2  }
0x6d: {  	s31 =	smul.u32 $0x204, s31;
	s28 =	sadd.s32 s0, s25;
	s0 =	sand.u32 $0x78, s7  }
0x6e: {  	s4 =	smul.u32 $0x204, s4;
	s1 =	sand.u32 $0x3F80, s29;
	s2 =	sxor.u32 $0x40, s0  }
0x6f: {  	s30 =	simm.s32 $0x1;
	s3 =	sand.u32 $0x78, s3;
	s2 =	smul.u32 $0x204, s2;
	v1 =	vld.idx.msk [tilespmem:v0+s1+$0x40 ss:$0x1], $0xffff  }
0x70: {  	p0 =	sne.s32 s23, $0x1;
	s5 =	sand.u32 $0x7F, s29;
	s3 =	smul.u32 $0x204, s3  }
0x71: {  	s7 =	simm.s32 $0x20;
	s0 =	smul.u32 $0x204, s0;
	s2 =	sshrl.u32 s2, $0x2;
	v2 =	vld.idx.msk [tilespmem:v0+s1+$0x0 ss:$0x1], $0xffff  }
0x72: {  	s31 =	sshrl.u32 s31, $0x2;
	s7 =	sand.u32 $0x78, s7;
	v3 =	vld.idx.msk [tilespmem:v0+s1+$0x10 ss:$0x1], $0xffff;
	s2 =	sadd.s32 s2, s28  }
0x73: {  	s7 =	smul.u32 $0x204, s7;
	s0 =	sshrl.u32 s0, $0x2;
	v4 =	vld.idx.msk [tilespmem:v0+s1+$0x20 ss:$0x1], $0xffff;
	s2 =	sadd.s32 s5, s2  }
.Ltmp4:
0x74: {  	s4 =	sshrl.u32 s4, $0x2;
	s0 =	sadd.s32 s0, s28;
	[tilespmem:s2+$0x0 ss:$0x81] =	vst.msk $0xffff, v1;
	v1 =	vld.idx.msk [tilespmem:v0+s1+$0x30 ss:$0x1], $0xffff;
	(pc) =	sbr.rel @!p0 .LBB1_7-.Ltmp4, $4  }
0x75: {  	s20 =	sadd.s32 s31, s28;
	s7 =	sshrl.u32 s7, $0x2;
	s0 =	sadd.s32 s5, s0  }
0x76: {  	s3 =	sshrl.u32 s3, $0x2;
	s7 =	sadd.s32 s7, s28;
	[tilespmem:s0+$0x0 ss:$0x81] =	vst.msk $0xffff, v2;
	s2 =	sadd.s32 s5, s20;
	v2 =	vld.idx.msk [tilespmem:v0+s1+$0x50 ss:$0x1], $0xffff  }
0x77: {  	s6 =	sadd.s32 s4, s28;
	s20 =	sadd.s32 s5, s7;
	[tilespmem:s2+$0x0 ss:$0x81] =	vst.msk $0xffff, v3;
	s2 =	sadd.s32 s3, s28  }
0x78: {  	s31 =	simm.s32 $0x2808;
	s1 =	sadd.s32 s5, s6;
	[tilespmem:s20+$0x0 ss:$0x81] =	vst.msk $0xffff, v4;
	s0 =	sadd.s32 s5, s2  }
.LBB1_6:
0x79: {  	s2 =	sadd.s32 $0xFFFFD800, s31;
	s3 =	sadd.s32 $0xFFFFE000, s31;
	[tilespmem:s1+$0x0 ss:$0x81] =	vst.msk $0xffff, v1;
	s1 =	smov.u32 s30  }
0x7a: {  	s30 =	sadd.s32 $0x1, s30;
	s29 =	sadd.s32 $0x80, s29;
	s4 =	sadd.s32 $0xFFFFE800, s31  }
0x7b: {  	s5 =	sadd.s32 $0xFFFFF000, s31;
	s2 =	sshrl.u32 s2, $0x7;
	p0 =	sne.s32 s23, s30;
	[tilespmem:s0+$0x0 ss:$0x81] =	vst.msk $0xffff, v2  }
0x7c: {  	s6 =	sshrl.u32 s31, $0x7;
	s0 =	sand.u32 $0x3F80, s29;
	s2 =	sand.u32 $0x78, s2  }
0x7d: {  	s3 =	sshrl.u32 s3, $0x7;
	s4 =	sshrl.u32 s4, $0x7;
	v3 =	vld.idx.msk [tilespmem:v0+s0+$0x40 ss:$0x1], $0xffff;
	s7 =	sxor.u32 $0x40, s2  }
0x7e: {  	s5 =	sshrl.u32 s5, $0x7;
	s6 =	sand.u32 $0x78, s6;
	v4 =	vld.idx.msk [tilespmem:v0+s0+$0x0 ss:$0x1], $0xffff;
	s7 =	smul.u32 $0x204, s7  }
0x7f: {  	s20 =	sand.u32 $0x7F, s1;
	s3 =	sand.u32 $0x78, s3;
	s4 =	sand.u32 $0x78, s4;
	v5 =	vld.idx.msk [tilespmem:v0+s0+$0x10 ss:$0x1], $0xffff  }
0x80: {  	s5 =	sand.u32 $0x78, s5;
	s1 =	smul.u32 $0x204, s2;
	v6 =	vld.idx.msk [tilespmem:v0+s0+$0x20 ss:$0x1], $0xffff;
	s7 =	sshrl.u32 s7, $0x2  }
0x81: {  	s3 =	smul.u32 $0x204, s3;
	v1 =	vld.idx.msk [tilespmem:v0+s0+$0x30 ss:$0x1], $0xffff;
	s2 =	sadd.s32 s7, s28  }
0x82: {  	s2 =	sadd.s32 s20, s2;
	v2 =	vld.idx.msk [tilespmem:v0+s0+$0x50 ss:$0x1], $0xffff;
	s0 =	sshrl.u32 s1, $0x2;
	s1 =	smul.u32 $0x204, s4  }
0x83: {  	s4 =	smul.u32 $0x204, s6;
	[tilespmem:s2+$0x0 ss:$0x81] =	vst.msk $0xffff, v3  }
0x84: {  	s0 =	sadd.s32 s0, s28;
	s2 =	sshrl.u32 s3, $0x2;
	s3 =	smul.u32 $0x204, s5  }
.Ltmp5:
0x85: {  	s2 =	sadd.s32 s2, s28;
	s1 =	sshrl.u32 s1, $0x2;
	(pc) =	sbr.rel @p0 .LBB1_6-.Ltmp5, $4  }
0x86: {  	s0 =	sadd.s32 s20, s0;
	s1 =	sadd.s32 s1, s28;
	s3 =	sshrl.u32 s3, $0x2  }
0x87: {  	[tilespmem:s0+$0x0 ss:$0x81] =	vst.msk $0xffff, v4;
	s0 =	sadd.s32 s20, s2;
	s2 =	sadd.s32 s3, s28;
	s3 =	sshrl.u32 s4, $0x2  }
0x88: {  	[tilespmem:s0+$0x0 ss:$0x81] =	vst.msk $0xffff, v5;
	s0 =	sadd.s32 s20, s1;
	s1 =	sadd.s32 s20, s2;
	s2 =	sadd.s32 s3, s28  }
0x89: {  	s31 =	sadd.s32 $0x8, s31;
	[tilespmem:s0+$0x0 ss:$0x81] =	vst.msk $0xffff, v6;
	s0 =	sadd.s32 s20, s2  }
.LBB1_7:
0x8a: {  	s27 =	sadd.s32 $0x1, s27  }
0x8b: {  	p0 =	sne.s32 s27, s22  }
.Ltmp6:
0x8c: {  	_ = 	snop;
	(pc) =	sbr.rel @p0 .LBB1_5-.Ltmp6, $3  }
0x8d: {  	_ =	sdelay $0x1  }
0x8e: {  	[tilespmem:s1+$0x0 ss:$0x81] =	vst.msk $0xffff, v1  }
0x8f: {  	[tilespmem:s0+$0x0 ss:$0x81] =	vst.msk $0xffff, v2  }
0x90: {  	s26 =	sadd.s32 $0x1, s26  }
0x91: {  	p0 =	sne.s32 s26, s21  }
.Ltmp7:
0x92: {  	_ = 	snop;
	(pc) =	sbr.rel @p0 .LBB1_4-.Ltmp7, $4  }
.Ltmp8:
0x93: {  	_ = 	snop;
	(pc) =	sbr.rel @!p0 .LBB1_9-.Ltmp8, $4  }
0x94: {  	_ = 	snop  }
0x95: {  	_ = 	snop  }
0x96: {  	_ = 	snop  }
0x97: {  	_ = 	snop  }
.LBB1_11:
0x98: {  	_ =	sfence.sel $0x180000  }
0x99: {  	s0 =	simm.s32 $0x1;
	[bflag:$0x0] =	sbarrier.arrive $0xFFFF  }
0x9a: {  	s30 =	simm.s32 $0x2;
	[sflag:s0] =	ssyncpa.u1 $0x1  }
0x9b: {  	[sflag:s30] =	ssyncpa.u1 $0x1  }
0x9c: {  	_ =	strace $0x9000004A  }
0x9d: {  	s31 =	stileid.u32;
	[bflag:$0x2] =	sbarrier.arrive $0xFFFF  }
0x9e: {  	p0 =	sne.s32 s31, $0x0;
	s0 =	rddreg [dreg:$0x2]  }
0x9f: {  	s0 =	sadd.s32 @!p0 $0x100000, s0  }
0xa0: {  	[sflag:s0] =	ssyncadd.tile.s32 @!p0 $0x1;
	_ =	shalt  }
.Lfunc_end1:
_tile_overlayer_lowered:
.L_overlay_start_2:
0xa1: {  	(tag) =	ssettag $0x2  }
0xa2: {  	s0 =	rddreg [dreg:$0x0];
	s2 =	stileid.u32  }
0xa3: {  	s1 =	rddreg [dreg:$0x1];
	p0 =	sne.s32 s2, $0x0  }
0xa4: {  	s3 =	rddreg [dreg:$0x2];
	[bflag:$0x3] =	sbarrier.arrive $0xFFFF;
	s2 =	simm.s32 @!p0 $0x1C01  }
0xa5: {  	[timem:s3], [sflag:s2] =	dma.local @!p0 [hbm:s0], s1  }
0xa6: {  	s0 =	simm.s32 @!p0 $0x1  }
0xa7: {  	_ =	swait.ge @!p0 [sflag:s0], s1  }
0xa8: {  	s1 =	ssub.s32 @!p0 $0x0, s1;
	[sflag:s0] =	ssyncset.done @!p0 $0x0  }
0xa9: {  	[sflag:s0] =	ssyncadd.s32 @!p0 s1  }
0xaa: {  	[bflag:$0x3] =	sbarrier.arrive $0xFFFF  }
0xab: {  	_ =	shalt  }

</sc_bundles>
